<compile_context>
chip_gen: v7x
topology: tpu7x:2x2x1
jax: 0.10.2.dev20260603
libtpu: 0.0.44.dev20260713+nightly
codegen_flags: <defaults>
</compile_context>

<pallas_src>
import functools

import jax
import jax.numpy as jnp
from jax import lax
from jax.experimental import pallas as pl
from jax.experimental.pallas import tpu as pltpu
from jax.experimental.pallas import tpu_sc as plsc

N = 16384
D = 1024
L = 16
C = 16
TBLK = 2048


def _mask_body(x_ref, w_ref, b_ref, u_ref, m_ref):
    x = x_ref[...]
    logits = lax.dot_general(
        x, w_ref[...],
        dimension_numbers=(((1,), (1,)), ((), ())),
        precision=lax.Precision.DEFAULT,
        preferred_element_type=jnp.float32,
    ) + b_ref[...]
    u = u_ref[...]
    g = -jnp.log(-jnp.log(u + 1e-10) + 1e-10)
    z = (logits + g) / 0.5
    m_ref[...] = (z[:, 1] > z[:, 0]).astype(jnp.float32)[:, None]


def _masks(x, W, b2, gumbel_u):
    return pl.pallas_call(
        _mask_body,
        grid=(N // TBLK,),
        in_specs=[
            pl.BlockSpec((TBLK, D), lambda i: (i, 0)),
            pl.BlockSpec((2, D), lambda i: (0, 0)),
            pl.BlockSpec((1, 2), lambda i: (0, 0)),
            pl.BlockSpec((TBLK, 2), lambda i: (i, 0)),
        ],
        out_specs=pl.BlockSpec((TBLK, 1), lambda i: (i, 0)),
        out_shape=jax.ShapeDtypeStruct((N, 1), jnp.float32),
    )(x, W, b2, gumbel_u)


def _sc_masked_copy(x, m):
    mesh = plsc.VectorSubcoreMesh(core_axis_name="c", subcore_axis_name="s")

    @functools.partial(
        pl.kernel,
        mesh=mesh,
        out_type=jax.ShapeDtypeStruct((N, D), jnp.float32),
        compiler_params=pltpu.CompilerParams(needs_layout_passes=False),
    )
    def sc_k(x_hbm, m_hbm, o_hbm):
        def body(x_in, m_in, o_out):
            mv = m_in[0]

            @pl.loop(0, C)
            def _(r):
                ridx = jnp.full((L,), r, jnp.int32)
                mr = lax.gather(
                    mv, ridx[:, None],
                    dimension_numbers=lax.GatherDimensionNumbers(
                        offset_dims=(), collapsed_slice_dims=(0,),
                        start_index_map=(0,)),
                    slice_sizes=(1,),
                    mode=lax.GatherScatterMode.PROMISE_IN_BOUNDS)

                @pl.loop(0, D, step=L)
                def _(c2):
                    o_out[r, pl.ds(c2, L)] = x_in[r, pl.ds(c2, L)] * mr

        pltpu.emit_pipeline(
            body,
            grid=(N // C,),
            in_specs=[
                pl.BlockSpec((C, D), lambda i: (i, 0)),
                pl.BlockSpec((1, C), lambda i: (i, 0)),
            ],
            out_specs=[pl.BlockSpec((C, D), lambda i: (i, 0))],
            core_axis_name=("c", "s"),
            dimension_semantics=(pltpu.PARALLEL,),
        )(x_hbm, m_hbm, o_hbm)

    return sc_k(x, m)


def kernel(x, W, b, gumbel_u):
    b2 = b.reshape(1, 2)
    m = _masks(x, W, b2, gumbel_u).reshape(N // C, C)
    return _sc_masked_copy(x, m)

# --- scband reference (transcript-rebuilt; emitter-appended) ---
"""Pipeline reference for scband-sample-selector-22660247453901 (READ-ONLY COPY).

The authoritative reference and input builder live on the scoring server;
editing this copy changes nothing except your own understanding.
"""

import jax, jax.numpy as jnp
import numpy as np

N = 16384
D = 1024

def setup_inputs(seed: int = 0) -> dict:
    key = jax.random.key(seed)
    k1, k2, k3, k4 = jax.random.split(key, 4)
    x = jax.random.normal(k1, (N, D), dtype=jnp.float32)
    # nn.Linear(D, 2) parameters: W [2, D], b [2]
    bound = 1.0 / np.sqrt(D)
    W = jax.random.uniform(k2, (2, D), dtype=jnp.float32, minval=-bound, maxval=bound)
    b = jax.random.uniform(k3, (2,), dtype=jnp.float32, minval=-bound, maxval=bound)
    # torch.rand_like(logits) draw, materialized as a fixed input for determinism
    gumbel_u = jax.random.uniform(k4, (N, 2), dtype=jnp.float32)
    return {"x": x, "W": W, "b": b, "gumbel_u": gumbel_u}

def reference(x, W, b, gumbel_u):
    logits = x @ W.T + b
    gumbel_noise = -jnp.log(-jnp.log(gumbel_u + 1e-10) + 1e-10)
    tau = 0.5
    y = jax.nn.softmax((logits + gumbel_noise) / tau, axis=-1)
    # hard straight-through one-hot
    idx = jnp.argmax(y, axis=-1)
    y_hard = jax.nn.one_hot(idx, 2, dtype=y.dtype)
    y = jax.lax.stop_gradient(y_hard - y) + y
    binary_mask = y[:, 1]
    masked_x = x * binary_mask[:, None]
    return masked_x

if __name__ == "__main__":
    import jax
    _d = setup_inputs()
    print(jax.jit(kernel)(*tuple(_d.values())))

</pallas_src>

<mosaic_0001>
#map = affine_map<(d0, d1) -> (0, 0)>
module attributes {stable_mosaic.version = 14 : i64} {
  func.func @sc_k(%arg0: i32, %arg1: i32, %arg2: memref<16384x1024xf32, #tpu.memory_space<hbm>>, %arg3: memref<1024x16xf32, #tpu.memory_space<hbm>>, %arg4: memref<16384x1024xf32, #tpu.memory_space<hbm>>) attributes {dimension_semantics = [#tpu.dimension_semantics<core_parallel>, #tpu.dimension_semantics<subcore_parallel>], iteration_bounds = array<i64: 2, 16>, scalar_prefetch = 0 : i64, scratch_operands = 0 : i64, tpu.core_type = #tpu.core_type<sc_vector_subcore>, window_params = [{transform_indices = #map}, {transform_indices = #map}, {transform_indices = #map}]} {
    %mul3A = arith.constant 1 : i32
    %mul3A_0 = arith.muli %arg1, %mul3A : i32
    %add3A = arith.constant 0 : i32
    %add3A_1 = arith.addi %add3A, %mul3A_0 : i32
    %mul3A_2 = arith.constant 16 : i32
    %mul3A_3 = arith.muli %arg0, %mul3A_2 : i32
    %add3A_4 = arith.addi %add3A_1, %mul3A_3 : i32
    %mul3A_5 = arith.constant 32 : i32
    %mul3A_6 = arith.muli %add3A_4, %mul3A_5 : i32
    "tpu.region"() ({
      %run_scoped3A = memref.alloca() : memref<2x16x1024xf32, #tpu.memory_space<vmem>>
      %run_scoped3A_7 = tpu.sem_alloc : memref<2x!tpu.dma_semaphore, #tpu.memory_space<semaphore_mem>>
      %run_scoped3A_8 = memref.alloca() : memref<2x1x16xf32, #tpu.memory_space<vmem>>
      %run_scoped3A_9 = tpu.sem_alloc : memref<2x!tpu.dma_semaphore, #tpu.memory_space<semaphore_mem>>
      %run_scoped3A_10 = memref.alloca() : memref<2x16x1024xf32, #tpu.memory_space<vmem>>
      %run_scoped3A_11 = tpu.sem_alloc : memref<2x!tpu.dma_semaphore, #tpu.memory_space<semaphore_mem>>
      %add3A_12 = arith.constant 0 : i32
      %add3A_13 = arith.addi %add3A_12, %mul3A_6 : i32
      %select_n3A = arith.constant true
      %select_n3A_14 = arith.constant 0 : i32
      %select_n3A_15 = arith.constant -1 : i32
      %select_n3A_16 = arith.select %select_n3A, %select_n3A_15, %select_n3A_14 : i32
      %eq3A = arith.constant -1 : i32
      %eq3A_17 = arith.cmpi eq, %select_n3A_16, %eq3A : i32
      %select_n3A_18 = arith.constant 31 : i32
      %select_n3A_19 = arith.select %eq3A_17, %select_n3A_18, %select_n3A_16 : i32
      %add3A_20 = arith.addi %select_n3A_19, %mul3A_6 : i32
      %select_n3A_21 = arith.constant true
      %select_n3A_22 = arith.constant 0 : i32
      %select_n3A_23 = arith.constant 1 : i32
      %select_n3A_24 = arith.select %select_n3A_21, %select_n3A_23, %select_n3A_22 : i32
      %eq3A_25 = arith.constant 32 : i32
      %eq3A_26 = arith.cmpi eq, %select_n3A_24, %eq3A_25 : i32
      %select_n3A_27 = arith.constant 0 : i32
      %select_n3A_28 = arith.select %eq3A_26, %select_n3A_27, %select_n3A_24 : i32
      %add3A_29 = arith.addi %select_n3A_28, %mul3A_6 : i32
      %add3A_30 = arith.constant 1 : i32
      %add3A_31 = arith.addi %select_n3A_28, %add3A_30 : i32
      %select_n3A_32 = arith.constant true
      %select_n3A_33 = arith.select %select_n3A_32, %add3A_31, %select_n3A_28 : i32
      %eq3A_34 = arith.constant 32 : i32
      %eq3A_35 = arith.cmpi eq, %select_n3A_33, %eq3A_34 : i32
      %select_n3A_36 = arith.constant 0 : i32
      %select_n3A_37 = arith.select %eq3A_35, %select_n3A_36, %select_n3A_33 : i32
      %add3A_38 = arith.addi %select_n3A_37, %mul3A_6 : i32
      "tpu.trace_start"() <{level = 10 : i32, message = "ep_initialize_0"}> : () -> ()
      %rem3A = arith.constant 0 : i32
      %rem3A_39 = arith.constant 2 : i32
      %rem3A_40 = arith.remui %rem3A, %rem3A_39 : i32
      %mul3A_41 = arith.constant 16 : i32
      %mul3A_42 = arith.muli %mul3A_41, %add3A_13 : i32
      %dma_start3A = arith.constant 0 : i32
      %dma_start3A_43 = arith.constant 0 : i32
      %dma_start3A_44 = tpu.memref_slice %run_scoped3A[%rem3A_40, %dma_start3A, %dma_start3A_43] : memref<2x16x1024xf32, #tpu.memory_space<vmem>> -> memref<1x16x1024xf32, #tpu.memory_space<vmem>>
      %dma_start3A_45 = tpu.memref_squeeze %dma_start3A_44 : memref<1x16x1024xf32, #tpu.memory_space<vmem>> -> memref<16x1024xf32, #tpu.memory_space<vmem>>
      %dma_start3A_46 = arith.constant 0 : i32
      %dma_start3A_47 = tpu.memref_slice %arg2[%mul3A_42, %dma_start3A_46] : memref<16384x1024xf32, #tpu.memory_space<hbm>> -> memref<16x1024xf32, #tpu.memory_space<hbm>>
      %dma_start3A_48 = tpu.memref_slice %run_scoped3A_7[%rem3A_40] : memref<2x!tpu.dma_semaphore, #tpu.memory_space<semaphore_mem>> -> memref<1x!tpu.dma_semaphore, #tpu.memory_space<semaphore_mem>>
      %dma_start3A_49 = tpu.memref_squeeze %dma_start3A_48 : memref<1x!tpu.dma_semaphore, #tpu.memory_space<semaphore_mem>> -> memref<!tpu.dma_semaphore, #tpu.memory_space<semaphore_mem>>
      %dma_start3A_50 = arith.constant 0 : i32
      %dma_start3A_51 = arith.constant 0 : i32
      %dma_start3A_52 = tpu.memref_slice %run_scoped3A[%rem3A_40, %dma_start3A_50, %dma_start3A_51] : memref<2x16x1024xf32, #tpu.memory_space<vmem>> -> memref<1x16x1024xf32, #tpu.memory_space<vmem>>
      %dma_start3A_53 = tpu.memref_squeeze %dma_start3A_52 : memref<1x16x1024xf32, #tpu.memory_space<vmem>> -> memref<16x1024xf32, #tpu.memory_space<vmem>>
      %dma_start3A_54 = arith.constant 0 : i32
      %dma_start3A_55 = tpu.memref_slice %arg2[%mul3A_42, %dma_start3A_54] : memref<16384x1024xf32, #tpu.memory_space<hbm>> -> memref<16x1024xf32, #tpu.memory_space<hbm>>
      tpu.enqueue_dma source(%dma_start3A_55 : memref<16x1024xf32, #tpu.memory_space<hbm>>) target(%dma_start3A_53 : memref<16x1024xf32, #tpu.memory_space<vmem>>) target_semaphore(%dma_start3A_49 : memref<!tpu.dma_semaphore, #tpu.memory_space<semaphore_mem>>)
      %add3A_56 = arith.constant 0 : i32
      %add3A_57 = arith.constant 1 : i32
      %add3A_58 = arith.addi %add3A_56, %add3A_57 : i32
      %select_n3A_59 = arith.constant true
      %select_n3A_60 = arith.constant 0 : i32
      %select_n3A_61 = arith.select %select_n3A_59, %add3A_58, %select_n3A_60 : i32
      %rem3A_62 = arith.constant 0 : i32
      %rem3A_63 = arith.constant 2 : i32
      %rem3A_64 = arith.remui %rem3A_62, %rem3A_63 : i32
      %mul3A_65 = arith.constant 1 : i32
      %mul3A_66 = arith.muli %mul3A_65, %add3A_13 : i32
      %dma_start3A_67 = arith.constant 0 : i32
      %dma_start3A_68 = arith.constant 0 : i32
      %dma_start3A_69 = tpu.memref_slice %run_scoped3A_8[%rem3A_64, %dma_start3A_67, %dma_start3A_68] : memref<2x1x16xf32, #tpu.memory_space<vmem>> -> memref<1x1x16xf32, #tpu.memory_space<vmem>>
      %dma_start3A_70 = tpu.memref_squeeze %dma_start3A_69 : memref<1x1x16xf32, #tpu.memory_space<vmem>> -> memref<1x16xf32, #tpu.memory_space<vmem>>
      %dma_start3A_71 = arith.constant 0 : i32
      %dma_start3A_72 = tpu.memref_slice %arg3[%mul3A_66, %dma_start3A_71] : memref<1024x16xf32, #tpu.memory_space<hbm>> -> memref<1x16xf32, #tpu.memory_space<hbm>>
      %dma_start3A_73 = tpu.memref_slice %run_scoped3A_9[%rem3A_64] : memref<2x!tpu.dma_semaphore, #tpu.memory_space<semaphore_mem>> -> memref<1x!tpu.dma_semaphore, #tpu.memory_space<semaphore_mem>>
      %dma_start3A_74 = tpu.memref_squeeze %dma_start3A_73 : memref<1x!tpu.dma_semaphore, #tpu.memory_space<semaphore_mem>> -> memref<!tpu.dma_semaphore, #tpu.memory_space<semaphore_mem>>
      %dma_start3A_75 = arith.constant 0 : i32
      %dma_start3A_76 = arith.constant 0 : i32
      %dma_start3A_77 = tpu.memref_slice %run_scoped3A_8[%rem3A_64, %dma_start3A_75, %dma_start3A_76] : memref<2x1x16xf32, #tpu.memory_space<vmem>> -> memref<1x1x16xf32, #tpu.memory_space<vmem>>
      %dma_start3A_78 = tpu.memref_squeeze %dma_start3A_77 : memref<1x1x16xf32, #tpu.memory_space<vmem>> -> memref<1x16xf32, #tpu.memory_space<vmem>>
      %dma_start3A_79 = arith.constant 0 : i32
      %dma_start3A_80 = tpu.memref_slice %arg3[%mul3A_66, %dma_start3A_79] : memref<1024x16xf32, #tpu.memory_space<hbm>> -> memref<1x16xf32, #tpu.memory_space<hbm>>
      tpu.enqueue_dma source(%dma_start3A_80 : memref<1x16xf32, #tpu.memory_space<hbm>>) target(%dma_start3A_78 : memref<1x16xf32, #tpu.memory_space<vmem>>) target_semaphore(%dma_start3A_74 : memref<!tpu.dma_semaphore, #tpu.memory_space<semaphore_mem>>)
      %add3A_81 = arith.constant 0 : i32
      %add3A_82 = arith.constant 1 : i32
      %add3A_83 = arith.addi %add3A_81, %add3A_82 : i32
      %select_n3A_84 = arith.constant true
      %select_n3A_85 = arith.constant 0 : i32
      %select_n3A_86 = arith.select %select_n3A_84, %add3A_83, %select_n3A_85 : i32
      "tpu.trace_stop"() : () -> ()
      %scan3A = arith.constant 0 : i32
      %scan3A_87 = arith.constant 0 : i32
      %scan3A_88 = arith.constant 0 : i32
      %scan3A_89 = arith.constant 0 : i32
      %scan3A_90 = arith.constant 0 : i32
      %scan3A_91 = arith.constant 0 : i32
      %scan3A_92 = arith.constant 32 : i32
      %scan3A_93 = arith.addi %scan3A_91, %scan3A_92 : i32
      %scan3A_94 = arith.constant 1 : i32
      %scan3A_95:7 = scf.for %scan3A_149 = %scan3A_91 to %scan3A_93 step %scan3A_94 iter_args(%scan3A_150 = %select_n3A_61, %scan3A_151 = %scan3A, %scan3A_152 = %select_n3A_86, %scan3A_153 = %scan3A_87, %scan3A_154 = %scan3A_88, %scan3A_155 = %scan3A_89, %scan3A_156 = %scan3A_90) -> (i32, i32, i32, i32, i32, i32, i32)  : i32 {
        %eq3A_157 = arith.constant 0 : i32
        %eq3A_158 = arith.cmpi eq, %scan3A_149, %eq3A_157 : i32
        %eq3A_159 = arith.constant 31 : i32
        %eq3A_160 = arith.cmpi eq, %scan3A_149, %eq3A_159 : i32
        %add3A_161 = arith.addi %scan3A_156, %mul3A_6 : i32
        %sub3A_162 = arith.constant 1 : i32
        %sub3A_163 = arith.subi %scan3A_156, %sub3A_162 : i32
        %select_n3A_164 = arith.constant true
        %select_n3A_165 = arith.select %select_n3A_164, %sub3A_163, %scan3A_156 : i32
        %eq3A_166 = arith.constant -1 : i32
        %eq3A_167 = arith.cmpi eq, %select_n3A_165, %eq3A_166 : i32
        %select_n3A_168 = arith.constant 31 : i32
        %select_n3A_169 = arith.select %eq3A_167, %select_n3A_168, %select_n3A_165 : i32
        %add3A_170 = arith.addi %select_n3A_169, %mul3A_6 : i32
        %add3A_171 = arith.constant 1 : i32
        %add3A_172 = arith.addi %scan3A_156, %add3A_171 : i32
        %select_n3A_173 = arith.constant true
        %select_n3A_174 = arith.select %select_n3A_173, %add3A_172, %scan3A_156 : i32
        %eq3A_175 = arith.constant 32 : i32
        %eq3A_176 = arith.cmpi eq, %select_n3A_174, %eq3A_175 : i32
        %select_n3A_177 = arith.constant 0 : i32
        %select_n3A_178 = arith.select %eq3A_176, %select_n3A_177, %select_n3A_174 : i32
        %add3A_179 = arith.addi %select_n3A_178, %mul3A_6 : i32
        %add3A_180 = arith.constant 1 : i32
        %add3A_181 = arith.addi %select_n3A_178, %add3A_180 : i32
        %select_n3A_182 = arith.constant true
        %select_n3A_183 = arith.select %select_n3A_182, %add3A_181, %select_n3A_178 : i32
        %eq3A_184 = arith.constant 32 : i32
        %eq3A_185 = arith.cmpi eq, %select_n3A_183, %eq3A_184 : i32
        %select_n3A_186 = arith.constant 0 : i32
        %select_n3A_187 = arith.select %eq3A_185, %select_n3A_186, %select_n3A_183 : i32
        %add3A_188 = arith.addi %select_n3A_187, %mul3A_6 : i32
        %ne3A = arith.cmpi ne, %add3A_161, %add3A_179 : i32
        %or3A = arith.constant false
        %or3A_189 = arith.ori %or3A, %ne3A : i1
        %or3A_190 = arith.constant false
        %or3A_191 = arith.ori %or3A_189, %or3A_190 : i1
        %ge3A = arith.constant 31 : i32
        %ge3A_192 = arith.cmpi sge, %scan3A_149, %ge3A : i32
        %not3A = arith.constant true
        %not3A_193 = arith.xori %ge3A_192, %not3A : i1
        %and3A = arith.andi %or3A_191, %not3A_193 : i1
        %convert_element_type3A = arith.extui %and3A : i1 to i32
        %cond3A = arith.constant 0 : i32
        %cond3A_194 = arith.cmpi ne, %convert_element_type3A, %cond3A : i32
        scf.if %cond3A_194 {
          "tpu.trace_start"() <{level = 10 : i32, message = "ep_copy_in"}> : () -> ()
          %rem3A_377 = arith.constant 2 : i32
          %rem3A_378 = arith.remui %scan3A_150, %rem3A_377 : i32
          %mul3A_379 = arith.constant 16 : i32
          %mul3A_380 = arith.muli %mul3A_379, %add3A_179 : i32
          %dma_start3A_381 = arith.constant 0 : i32
          %dma_start3A_382 = arith.constant 0 : i32
          %dma_start3A_383 = tpu.memref_slice %run_scoped3A[%rem3A_378, %dma_start3A_381, %dma_start3A_382] : memref<2x16x1024xf32, #tpu.memory_space<vmem>> -> memref<1x16x1024xf32, #tpu.memory_space<vmem>>
          %dma_start3A_384 = tpu.memref_squeeze %dma_start3A_383 : memref<1x16x1024xf32, #tpu.memory_space<vmem>> -> memref<16x1024xf32, #tpu.memory_space<vmem>>
          %dma_start3A_385 = arith.constant 0 : i32
          %dma_start3A_386 = tpu.memref_slice %arg2[%mul3A_380, %dma_start3A_385] : memref<16384x1024xf32, #tpu.memory_space<hbm>> -> memref<16x1024xf32, #tpu.memory_space<hbm>>
          %dma_start3A_387 = tpu.memref_slice %run_scoped3A_7[%rem3A_378] : memref<2x!tpu.dma_semaphore, #tpu.memory_space<semaphore_mem>> -> memref<1x!tpu.dma_semaphore, #tpu.memory_space<semaphore_mem>>
          %dma_start3A_388 = tpu.memref_squeeze %dma_start3A_387 : memref<1x!tpu.dma_semaphore, #tpu.memory_space<semaphore_mem>> -> memref<!tpu.dma_semaphore, #tpu.memory_space<semaphore_mem>>
          %dma_start3A_389 = arith.constant 0 : i32
          %dma_start3A_390 = arith.constant 0 : i32
          %dma_start3A_391 = tpu.memref_slice %run_scoped3A[%rem3A_378, %dma_start3A_389, %dma_start3A_390] : memref<2x16x1024xf32, #tpu.memory_space<vmem>> -> memref<1x16x1024xf32, #tpu.memory_space<vmem>>
          %dma_start3A_392 = tpu.memref_squeeze %dma_start3A_391 : memref<1x16x1024xf32, #tpu.memory_space<vmem>> -> memref<16x1024xf32, #tpu.memory_space<vmem>>
          %dma_start3A_393 = arith.constant 0 : i32
          %dma_start3A_394 = tpu.memref_slice %arg2[%mul3A_380, %dma_start3A_393] : memref<16384x1024xf32, #tpu.memory_space<hbm>> -> memref<16x1024xf32, #tpu.memory_space<hbm>>
          tpu.enqueue_dma source(%dma_start3A_394 : memref<16x1024xf32, #tpu.memory_space<hbm>>) target(%dma_start3A_392 : memref<16x1024xf32, #tpu.memory_space<vmem>>) target_semaphore(%dma_start3A_388 : memref<!tpu.dma_semaphore, #tpu.memory_space<semaphore_mem>>)
          "tpu.trace_stop"() : () -> ()
        } else {
        }
        %and3A_195 = arith.constant true
        %and3A_196 = arith.andi %and3A, %and3A_195 : i1
        %add3A_197 = arith.constant 1 : i32
        %add3A_198 = arith.addi %scan3A_150, %add3A_197 : i32
        %select_n3A_199 = arith.select %and3A_196, %add3A_198, %scan3A_150 : i32
        %ne3A_200 = arith.cmpi ne, %add3A_161, %add3A_179 : i32
        %or3A_201 = arith.constant false
        %or3A_202 = arith.ori %or3A_201, %ne3A_200 : i1
        %or3A_203 = arith.constant false
        %or3A_204 = arith.ori %or3A_202, %or3A_203 : i1
        %ge3A_205 = arith.constant 31 : i32
        %ge3A_206 = arith.cmpi sge, %scan3A_149, %ge3A_205 : i32
        %not3A_207 = arith.constant true
        %not3A_208 = arith.xori %ge3A_206, %not3A_207 : i1
        %and3A_209 = arith.andi %or3A_204, %not3A_208 : i1
        %convert_element_type3A_210 = arith.extui %and3A_209 : i1 to i32
        %cond3A_211 = arith.constant 0 : i32
        %cond3A_212 = arith.cmpi ne, %convert_element_type3A_210, %cond3A_211 : i32
        scf.if %cond3A_212 {
          "tpu.trace_start"() <{level = 10 : i32, message = "ep_copy_in"}> : () -> ()
          %rem3A_377 = arith.constant 2 : i32
          %rem3A_378 = arith.remui %scan3A_152, %rem3A_377 : i32
          %mul3A_379 = arith.constant 1 : i32
          %mul3A_380 = arith.muli %mul3A_379, %add3A_179 : i32
          %dma_start3A_381 = arith.constant 0 : i32
          %dma_start3A_382 = arith.constant 0 : i32
          %dma_start3A_383 = tpu.memref_slice %run_scoped3A_8[%rem3A_378, %dma_start3A_381, %dma_start3A_382] : memref<2x1x16xf32, #tpu.memory_space<vmem>> -> memref<1x1x16xf32, #tpu.memory_space<vmem>>
          %dma_start3A_384 = tpu.memref_squeeze %dma_start3A_383 : memref<1x1x16xf32, #tpu.memory_space<vmem>> -> memref<1x16xf32, #tpu.memory_space<vmem>>
          %dma_start3A_385 = arith.constant 0 : i32
          %dma_start3A_386 = tpu.memref_slice %arg3[%mul3A_380, %dma_start3A_385] : memref<1024x16xf32, #tpu.memory_space<hbm>> -> memref<1x16xf32, #tpu.memory_space<hbm>>
          %dma_start3A_387 = tpu.memref_slice %run_scoped3A_9[%rem3A_378] : memref<2x!tpu.dma_semaphore, #tpu.memory_space<semaphore_mem>> -> memref<1x!tpu.dma_semaphore, #tpu.memory_space<semaphore_mem>>
          %dma_start3A_388 = tpu.memref_squeeze %dma_start3A_387 : memref<1x!tpu.dma_semaphore, #tpu.memory_space<semaphore_mem>> -> memref<!tpu.dma_semaphore, #tpu.memory_space<semaphore_mem>>
          %dma_start3A_389 = arith.constant 0 : i32
          %dma_start3A_390 = arith.constant 0 : i32
          %dma_start3A_391 = tpu.memref_slice %run_scoped3A_8[%rem3A_378, %dma_start3A_389, %dma_start3A_390] : memref<2x1x16xf32, #tpu.memory_space<vmem>> -> memref<1x1x16xf32, #tpu.memory_space<vmem>>
          %dma_start3A_392 = tpu.memref_squeeze %dma_start3A_391 : memref<1x1x16xf32, #tpu.memory_space<vmem>> -> memref<1x16xf32, #tpu.memory_space<vmem>>
          %dma_start3A_393 = arith.constant 0 : i32
          %dma_start3A_394 = tpu.memref_slice %arg3[%mul3A_380, %dma_start3A_393] : memref<1024x16xf32, #tpu.memory_space<hbm>> -> memref<1x16xf32, #tpu.memory_space<hbm>>
          tpu.enqueue_dma source(%dma_start3A_394 : memref<1x16xf32, #tpu.memory_space<hbm>>) target(%dma_start3A_392 : memref<1x16xf32, #tpu.memory_space<vmem>>) target_semaphore(%dma_start3A_388 : memref<!tpu.dma_semaphore, #tpu.memory_space<semaphore_mem>>)
          "tpu.trace_stop"() : () -> ()
        } else {
        }
        %and3A_213 = arith.constant true
        %and3A_214 = arith.andi %and3A_209, %and3A_213 : i1
        %add3A_215 = arith.constant 1 : i32
        %add3A_216 = arith.addi %scan3A_152, %add3A_215 : i32
        %select_n3A_217 = arith.select %and3A_214, %add3A_216, %scan3A_152 : i32
        %ne3A_218 = arith.cmpi ne, %add3A_161, %add3A_179 : i32
        %or3A_219 = arith.constant false
        %or3A_220 = arith.ori %or3A_219, %ne3A_218 : i1
        %or3A_221 = arith.constant false
        %or3A_222 = arith.ori %or3A_220, %or3A_221 : i1
        %ge3A_223 = arith.constant 31 : i32
        %ge3A_224 = arith.cmpi sge, %scan3A_149, %ge3A_223 : i32
        %not3A_225 = arith.constant true
        %not3A_226 = arith.xori %ge3A_224, %not3A_225 : i1
        %and3A_227 = arith.andi %or3A_222, %not3A_226 : i1
        %ne3A_228 = arith.cmpi ne, %add3A_161, %add3A_170 : i32
        %or3A_229 = arith.constant false
        %or3A_230 = arith.ori %or3A_229, %ne3A_228 : i1
        %or3A_231 = arith.constant false
        %or3A_232 = arith.ori %or3A_230, %or3A_231 : i1
        %or3A_233 = arith.ori %or3A_232, %eq3A_158 : i1
        %convert_element_type3A_234 = arith.extui %or3A_233 : i1 to i32
        %cond3A_235 = arith.constant 0 : i32
        %cond3A_236 = arith.cmpi ne, %convert_element_type3A_234, %cond3A_235 : i32
        scf.if %cond3A_236 {
          "tpu.trace_start"() <{level = 10 : i32, message = "ep_wait_in"}> : () -> ()
          %mul3A_377 = arith.constant 16 : i32
          %mul3A_378 = arith.muli %mul3A_377, %add3A_161 : i32
          %rem3A_379 = arith.constant 2 : i32
          %rem3A_380 = arith.remui %scan3A_151, %rem3A_379 : i32
          %dma_wait3A_381 = arith.constant 0 : i32
          %dma_wait3A_382 = arith.constant 0 : i32
          %dma_wait3A_383 = tpu.memref_slice %run_scoped3A[%rem3A_380, %dma_wait3A_381, %dma_wait3A_382] : memref<2x16x1024xf32, #tpu.memory_space<vmem>> -> memref<1x16x1024xf32, #tpu.memory_space<vmem>>
          %dma_wait3A_384 = tpu.memref_squeeze %dma_wait3A_383 : memref<1x16x1024xf32, #tpu.memory_space<vmem>> -> memref<16x1024xf32, #tpu.memory_space<vmem>>
          %dma_wait3A_385 = arith.constant 0 : i32
          %dma_wait3A_386 = tpu.memref_slice %arg2[%mul3A_378, %dma_wait3A_385] : memref<16384x1024xf32, #tpu.memory_space<hbm>> -> memref<16x1024xf32, #tpu.memory_space<hbm>>
          %dma_wait3A_387 = tpu.memref_slice %run_scoped3A_7[%rem3A_380] : memref<2x!tpu.dma_semaphore, #tpu.memory_space<semaphore_mem>> -> memref<1x!tpu.dma_semaphore, #tpu.memory_space<semaphore_mem>>
          %dma_wait3A_388 = tpu.memref_squeeze %dma_wait3A_387 : memref<1x!tpu.dma_semaphore, #tpu.memory_space<semaphore_mem>> -> memref<!tpu.dma_semaphore, #tpu.memory_space<semaphore_mem>>
          %dma_wait3A_389 = arith.constant 0 : i32
          %dma_wait3A_390 = arith.constant 0 : i32
          %dma_wait3A_391 = tpu.memref_slice %run_scoped3A[%rem3A_380, %dma_wait3A_389, %dma_wait3A_390] : memref<2x16x1024xf32, #tpu.memory_space<vmem>> -> memref<1x16x1024xf32, #tpu.memory_space<vmem>>
          %dma_wait3A_392 = tpu.memref_squeeze %dma_wait3A_391 : memref<1x16x1024xf32, #tpu.memory_space<vmem>> -> memref<16x1024xf32, #tpu.memory_space<vmem>>
          %dma_wait3A_393 = arith.constant 0 : i32
          %dma_wait3A_394 = tpu.memref_slice %arg2[%mul3A_378, %dma_wait3A_393] : memref<16384x1024xf32, #tpu.memory_space<hbm>> -> memref<16x1024xf32, #tpu.memory_space<hbm>>
          tpu.wait_dma2 semaphore(%dma_wait3A_388 : memref<!tpu.dma_semaphore, #tpu.memory_space<semaphore_mem>>) src(%dma_wait3A_394 : memref<16x1024xf32, #tpu.memory_space<hbm>>) dst(%dma_wait3A_392 : memref<16x1024xf32, #tpu.memory_space<vmem>>)
          "tpu.trace_stop"() : () -> ()
        } else {
        }
        %ne3A_237 = arith.cmpi ne, %add3A_161, %add3A_170 : i32
        %or3A_238 = arith.constant false
        %or3A_239 = arith.ori %or3A_238, %ne3A_237 : i1
        %or3A_240 = arith.constant false
        %or3A_241 = arith.ori %or3A_239, %or3A_240 : i1
        %or3A_242 = arith.ori %or3A_241, %eq3A_158 : i1
        %convert_element_type3A_243 = arith.extui %or3A_242 : i1 to i32
        %cond3A_244 = arith.constant 0 : i32
        %cond3A_245 = arith.cmpi ne, %convert_element_type3A_243, %cond3A_244 : i32
        scf.if %cond3A_245 {
          "tpu.trace_start"() <{level = 10 : i32, message = "ep_wait_in"}> : () -> ()
          %mul3A_377 = arith.constant 1 : i32
          %mul3A_378 = arith.muli %mul3A_377, %add3A_161 : i32
          %rem3A_379 = arith.constant 2 : i32
          %rem3A_380 = arith.remui %scan3A_153, %rem3A_379 : i32
          %dma_wait3A_381 = arith.constant 0 : i32
          %dma_wait3A_382 = arith.constant 0 : i32
          %dma_wait3A_383 = tpu.memref_slice %run_scoped3A_8[%rem3A_380, %dma_wait3A_381, %dma_wait3A_382] : memref<2x1x16xf32, #tpu.memory_space<vmem>> -> memref<1x1x16xf32, #tpu.memory_space<vmem>>
          %dma_wait3A_384 = tpu.memref_squeeze %dma_wait3A_383 : memref<1x1x16xf32, #tpu.memory_space<vmem>> -> memref<1x16xf32, #tpu.memory_space<vmem>>
          %dma_wait3A_385 = arith.constant 0 : i32
          %dma_wait3A_386 = tpu.memref_slice %arg3[%mul3A_378, %dma_wait3A_385] : memref<1024x16xf32, #tpu.memory_space<hbm>> -> memref<1x16xf32, #tpu.memory_space<hbm>>
          %dma_wait3A_387 = tpu.memref_slice %run_scoped3A_9[%rem3A_380] : memref<2x!tpu.dma_semaphore, #tpu.memory_space<semaphore_mem>> -> memref<1x!tpu.dma_semaphore, #tpu.memory_space<semaphore_mem>>
          %dma_wait3A_388 = tpu.memref_squeeze %dma_wait3A_387 : memref<1x!tpu.dma_semaphore, #tpu.memory_space<semaphore_mem>> -> memref<!tpu.dma_semaphore, #tpu.memory_space<semaphore_mem>>
          %dma_wait3A_389 = arith.constant 0 : i32
          %dma_wait3A_390 = arith.constant 0 : i32
          %dma_wait3A_391 = tpu.memref_slice %run_scoped3A_8[%rem3A_380, %dma_wait3A_389, %dma_wait3A_390] : memref<2x1x16xf32, #tpu.memory_space<vmem>> -> memref<1x1x16xf32, #tpu.memory_space<vmem>>
          %dma_wait3A_392 = tpu.memref_squeeze %dma_wait3A_391 : memref<1x1x16xf32, #tpu.memory_space<vmem>> -> memref<1x16xf32, #tpu.memory_space<vmem>>
          %dma_wait3A_393 = arith.constant 0 : i32
          %dma_wait3A_394 = tpu.memref_slice %arg3[%mul3A_378, %dma_wait3A_393] : memref<1024x16xf32, #tpu.memory_space<hbm>> -> memref<1x16xf32, #tpu.memory_space<hbm>>
          tpu.wait_dma2 semaphore(%dma_wait3A_388 : memref<!tpu.dma_semaphore, #tpu.memory_space<semaphore_mem>>) src(%dma_wait3A_394 : memref<1x16xf32, #tpu.memory_space<hbm>>) dst(%dma_wait3A_392 : memref<1x16xf32, #tpu.memory_space<vmem>>)
          "tpu.trace_stop"() : () -> ()
        } else {
        }
        %ne3A_246 = arith.cmpi ne, %add3A_161, %add3A_170 : i32
        %or3A_247 = arith.constant false
        %or3A_248 = arith.ori %or3A_247, %ne3A_246 : i1
        %or3A_249 = arith.constant false
        %or3A_250 = arith.ori %or3A_248, %or3A_249 : i1
        %or3A_251 = arith.ori %or3A_250, %eq3A_158 : i1
        %convert_element_type3A_252 = arith.extui %or3A_251 : i1 to i32
        %cond3A_253 = arith.constant 0 : i32
        %cond3A_254 = arith.cmpi ne, %convert_element_type3A_252, %cond3A_253 : i32
        scf.if %cond3A_254 {
        } else {
        }
        %rem3A_255 = arith.constant 2 : i32
        %rem3A_256 = arith.remui %scan3A_151, %rem3A_255 : i32
        %rem3A_257 = arith.constant 2 : i32
        %rem3A_258 = arith.remui %scan3A_153, %rem3A_257 : i32
        %rem3A_259 = arith.constant 2 : i32
        %rem3A_260 = arith.remui %scan3A_154, %rem3A_259 : i32
        %get3A = arith.constant 0 : i32
        "tpu.trace_start"() <{level = 10 : i32, message = "ep_run_kernel"}> : () -> ()
        %get3A_261 = arith.constant 0 : i32
        %get3A_262 = arith.constant 0 : i32
        %get3A_263 = tpu.memref_slice %run_scoped3A_8[%rem3A_258, %get3A_261, %get3A_262] : memref<2x1x16xf32, #tpu.memory_space<vmem>> -> memref<1x1x16xf32, #tpu.memory_space<vmem>>
        %get3A_264 = tpu.memref_squeeze %get3A_263 : memref<1x1x16xf32, #tpu.memory_space<vmem>> -> memref<1x16xf32, #tpu.memory_space<vmem>>
        %get3A_265 = arith.index_cast %get3A : i32 to index
        %get3A_266 = arith.constant 0 : index
        %get3A_267 = tpu.vector_load %get3A_264[%get3A_265, %get3A_266] {strides = array<i32>} : memref<1x16xf32, #tpu.memory_space<vmem>>, vector<16xf32>,
        %scan3A_268 = arith.constant 0 : i32
        %scan3A_269 = arith.constant 16 : i32
        %scan3A_270 = arith.addi %scan3A_268, %scan3A_269 : i32
        %scan3A_271 = arith.constant 1 : i32
        scf.for %scan3A_377 = %scan3A_268 to %scan3A_270 step %scan3A_271  : i32 {
          %mul3A_378 = arith.constant 1 : i32
          %mul3A_379 = arith.muli %scan3A_377, %mul3A_378 : i32
          %add3A_380 = arith.constant 0 : i32
          %add3A_381 = arith.addi %add3A_380, %mul3A_379 : i32
          %broadcast_in_dim3A = vector.broadcast %add3A_381 : i32 to vector<16xi32>
          %broadcast_in_dim3A_382 = vector.shape_cast %broadcast_in_dim3A : vector<16xi32> to vector<16x1xi32>
          %gather3A = vector.shape_cast %broadcast_in_dim3A_382 : vector<16x1xi32> to vector<16xi32>
          %gather3A_383 = tpu.dynamic_gather %get3A_267[%gather3A] in [0] : vector<16xf32>, vector<16xi32> -> vector<16xf32>
          %scan3A_384 = arith.constant 0 : i32
          %scan3A_385 = arith.constant 64 : i32
          %scan3A_386 = arith.addi %scan3A_384, %scan3A_385 : i32
          %scan3A_387 = arith.constant 1 : i32
          scf.for %scan3A_389 = %scan3A_384 to %scan3A_386 step %scan3A_387  : i32 {
            %mul3A_390 = arith.constant 16 : i32
            %mul3A_391 = arith.muli %scan3A_389, %mul3A_390 : i32
            %add3A_392 = arith.constant 0 : i32
            %add3A_393 = arith.addi %add3A_392, %mul3A_391 : i32
            %get3A_394 = arith.constant 0 : i32
            %get3A_395 = arith.constant 0 : i32
            %get3A_396 = tpu.memref_slice %run_scoped3A[%rem3A_256, %get3A_394, %get3A_395] : memref<2x16x1024xf32, #tpu.memory_space<vmem>> -> memref<1x16x1024xf32, #tpu.memory_space<vmem>>
            %get3A_397 = tpu.memref_squeeze %get3A_396 : memref<1x16x1024xf32, #tpu.memory_space<vmem>> -> memref<16x1024xf32, #tpu.memory_space<vmem>>
            %get3A_398 = arith.index_cast %add3A_381 : i32 to index
            %get3A_399 = arith.index_cast %add3A_393 : i32 to index
            %get3A_400 = tpu.vector_load %get3A_397[%get3A_398, %get3A_399] {strides = array<i32>} : memref<16x1024xf32, #tpu.memory_space<vmem>>, vector<16xf32>,
            %mul3A_401 = arith.mulf %get3A_400, %gather3A_383 : vector<16xf32>
            %swap3A = arith.constant 0 : i32
            %swap3A_402 = arith.constant 0 : i32
            %swap3A_403 = tpu.memref_slice %run_scoped3A_10[%rem3A_260, %swap3A, %swap3A_402] : memref<2x16x1024xf32, #tpu.memory_space<vmem>> -> memref<1x16x1024xf32, #tpu.memory_space<vmem>>
            %swap3A_404 = tpu.memref_squeeze %swap3A_403 : memref<1x16x1024xf32, #tpu.memory_space<vmem>> -> memref<16x1024xf32, #tpu.memory_space<vmem>>
            %swap3A_405 = arith.index_cast %add3A_381 : i32 to index
            %swap3A_406 = arith.index_cast %add3A_393 : i32 to index
            %swap3A_407 = tpu.vector_load %swap3A_404[%swap3A_405, %swap3A_406] {strides = array<i32>} : memref<16x1024xf32, #tpu.memory_space<vmem>>, vector<16xf32>,
            tpu.vector_store %swap3A_404[%swap3A_405, %swap3A_406], %mul3A_401 {strides = array<i32>} : memref<16x1024xf32, #tpu.memory_space<vmem>>, vector<16xf32>,
          }
          %scan3A_388 = arith.constant 64 : i32
        }
        %scan3A_272 = arith.constant 16 : i32
        "tpu.trace_stop"() : () -> ()
        %ne3A_273 = arith.cmpi ne, %add3A_161, %add3A_179 : i32
        %or3A_274 = arith.constant false
        %or3A_275 = arith.ori %or3A_274, %ne3A_273 : i1
        %or3A_276 = arith.constant false
        %or3A_277 = arith.ori %or3A_275, %or3A_276 : i1
        %or3A_278 = arith.ori %or3A_277, %eq3A_160 : i1
        %convert_element_type3A_279 = arith.extui %or3A_278 : i1 to i32
        %cond3A_280 = arith.constant 0 : i32
        %cond3A_281 = arith.cmpi ne, %convert_element_type3A_279, %cond3A_280 : i32
        scf.if %cond3A_281 {
        } else {
        }
        %and3A_282 = arith.constant false
        %and3A_283 = arith.andi %or3A_278, %and3A_282 : i1
        %ne3A_284 = arith.cmpi ne, %add3A_161, %add3A_179 : i32
        %or3A_285 = arith.constant false
        %or3A_286 = arith.ori %or3A_285, %ne3A_284 : i1
        %or3A_287 = arith.constant false
        %or3A_288 = arith.ori %or3A_286, %or3A_287 : i1
        %or3A_289 = arith.ori %or3A_288, %eq3A_160 : i1
        %convert_element_type3A_290 = arith.extui %or3A_289 : i1 to i32
        %cond3A_291 = arith.constant 0 : i32
        %cond3A_292 = arith.cmpi ne, %convert_element_type3A_290, %cond3A_291 : i32
        scf.if %cond3A_292 {
        } else {
        }
        %and3A_293 = arith.constant false
        %and3A_294 = arith.andi %or3A_289, %and3A_293 : i1
        %ne3A_295 = arith.cmpi ne, %add3A_161, %add3A_179 : i32
        %or3A_296 = arith.constant false
        %or3A_297 = arith.ori %or3A_296, %ne3A_295 : i1
        %or3A_298 = arith.constant false
        %or3A_299 = arith.ori %or3A_297, %or3A_298 : i1
        %or3A_300 = arith.ori %or3A_299, %eq3A_160 : i1
        %convert_element_type3A_301 = arith.extui %or3A_300 : i1 to i32
        %cond3A_302 = arith.constant 0 : i32
        %cond3A_303 = arith.cmpi ne, %convert_element_type3A_301, %cond3A_302 : i32
        scf.if %cond3A_303 {
          "tpu.trace_start"() <{level = 10 : i32, message = "ep_copy_out"}> : () -> ()
          %rem3A_377 = arith.constant 2 : i32
          %rem3A_378 = arith.remui %scan3A_154, %rem3A_377 : i32
          %mul3A_379 = arith.constant 16 : i32
          %mul3A_380 = arith.muli %mul3A_379, %add3A_161 : i32
          %dma_start3A_381 = arith.constant 0 : i32
          %dma_start3A_382 = arith.constant 0 : i32
          %dma_start3A_383 = tpu.memref_slice %run_scoped3A_10[%rem3A_378, %dma_start3A_381, %dma_start3A_382] : memref<2x16x1024xf32, #tpu.memory_space<vmem>> -> memref<1x16x1024xf32, #tpu.memory_space<vmem>>
          %dma_start3A_384 = tpu.memref_squeeze %dma_start3A_383 : memref<1x16x1024xf32, #tpu.memory_space<vmem>> -> memref<16x1024xf32, #tpu.memory_space<vmem>>
          %dma_start3A_385 = arith.constant 0 : i32
          %dma_start3A_386 = tpu.memref_slice %arg4[%mul3A_380, %dma_start3A_385] : memref<16384x1024xf32, #tpu.memory_space<hbm>> -> memref<16x1024xf32, #tpu.memory_space<hbm>>
          %dma_start3A_387 = tpu.memref_slice %run_scoped3A_11[%rem3A_378] : memref<2x!tpu.dma_semaphore, #tpu.memory_space<semaphore_mem>> -> memref<1x!tpu.dma_semaphore, #tpu.memory_space<semaphore_mem>>
          %dma_start3A_388 = tpu.memref_squeeze %dma_start3A_387 : memref<1x!tpu.dma_semaphore, #tpu.memory_space<semaphore_mem>> -> memref<!tpu.dma_semaphore, #tpu.memory_space<semaphore_mem>>
          %dma_start3A_389 = arith.constant 0 : i32
          %dma_start3A_390 = tpu.memref_slice %arg4[%mul3A_380, %dma_start3A_389] : memref<16384x1024xf32, #tpu.memory_space<hbm>> -> memref<16x1024xf32, #tpu.memory_space<hbm>>
          %dma_start3A_391 = arith.constant 0 : i32
          %dma_start3A_392 = arith.constant 0 : i32
          %dma_start3A_393 = tpu.memref_slice %run_scoped3A_10[%rem3A_378, %dma_start3A_391, %dma_start3A_392] : memref<2x16x1024xf32, #tpu.memory_space<vmem>> -> memref<1x16x1024xf32, #tpu.memory_space<vmem>>
          %dma_start3A_394 = tpu.memref_squeeze %dma_start3A_393 : memref<1x16x1024xf32, #tpu.memory_space<vmem>> -> memref<16x1024xf32, #tpu.memory_space<vmem>>
          tpu.enqueue_dma source(%dma_start3A_394 : memref<16x1024xf32, #tpu.memory_space<vmem>>) target(%dma_start3A_390 : memref<16x1024xf32, #tpu.memory_space<hbm>>) target_semaphore(%dma_start3A_388 : memref<!tpu.dma_semaphore, #tpu.memory_space<semaphore_mem>>)
          "tpu.trace_stop"() : () -> ()
        } else {
        }
        %and3A_304 = arith.constant true
        %and3A_305 = arith.andi %or3A_300, %and3A_304 : i1
        %add3A_306 = arith.constant 1 : i32
        %add3A_307 = arith.addi %scan3A_154, %add3A_306 : i32
        %select_n3A_308 = arith.select %and3A_305, %add3A_307, %scan3A_154 : i32
        %ne3A_309 = arith.cmpi ne, %add3A_161, %add3A_170 : i32
        %or3A_310 = arith.constant false
        %or3A_311 = arith.ori %or3A_310, %ne3A_309 : i1
        %or3A_312 = arith.constant false
        %or3A_313 = arith.ori %or3A_311, %or3A_312 : i1
        %not3A_314 = arith.constant true
        %not3A_315 = arith.xori %eq3A_158, %not3A_314 : i1
        %and3A_316 = arith.andi %or3A_313, %not3A_315 : i1
        %convert_element_type3A_317 = arith.extui %and3A_316 : i1 to i32
        %cond3A_318 = arith.constant 0 : i32
        %cond3A_319 = arith.cmpi ne, %convert_element_type3A_317, %cond3A_318 : i32
        scf.if %cond3A_319 {
        } else {
        }
        %and3A_320 = arith.constant false
        %and3A_321 = arith.andi %and3A_316, %and3A_320 : i1
        %ne3A_322 = arith.cmpi ne, %add3A_161, %add3A_170 : i32
        %or3A_323 = arith.constant false
        %or3A_324 = arith.ori %or3A_323, %ne3A_322 : i1
        %or3A_325 = arith.constant false
        %or3A_326 = arith.ori %or3A_324, %or3A_325 : i1
        %not3A_327 = arith.constant true
        %not3A_328 = arith.xori %eq3A_158, %not3A_327 : i1
        %and3A_329 = arith.andi %or3A_326, %not3A_328 : i1
        %convert_element_type3A_330 = arith.extui %and3A_329 : i1 to i32
        %cond3A_331 = arith.constant 0 : i32
        %cond3A_332 = arith.cmpi ne, %convert_element_type3A_330, %cond3A_331 : i32
        scf.if %cond3A_332 {
        } else {
        }
        %and3A_333 = arith.constant false
        %and3A_334 = arith.andi %and3A_329, %and3A_333 : i1
        %ne3A_335 = arith.cmpi ne, %add3A_161, %add3A_170 : i32
        %or3A_336 = arith.constant false
        %or3A_337 = arith.ori %or3A_336, %ne3A_335 : i1
        %or3A_338 = arith.constant false
        %or3A_339 = arith.ori %or3A_337, %or3A_338 : i1
        %not3A_340 = arith.constant true
        %not3A_341 = arith.xori %eq3A_158, %not3A_340 : i1
        %and3A_342 = arith.andi %or3A_339, %not3A_341 : i1
        %convert_element_type3A_343 = arith.extui %and3A_342 : i1 to i32
        %cond3A_344 = arith.constant 0 : i32
        %cond3A_345 = arith.cmpi ne, %convert_element_type3A_343, %cond3A_344 : i32
        scf.if %cond3A_345 {
          "tpu.trace_start"() <{level = 10 : i32, message = "ep_wait_out"}> : () -> ()
          %rem3A_377 = arith.constant 2 : i32
          %rem3A_378 = arith.remui %scan3A_155, %rem3A_377 : i32
          %mul3A_379 = arith.constant 16 : i32
          %mul3A_380 = arith.muli %mul3A_379, %add3A_170 : i32
          %dma_wait3A_381 = arith.constant 0 : i32
          %dma_wait3A_382 = arith.constant 0 : i32
          %dma_wait3A_383 = tpu.memref_slice %run_scoped3A_10[%rem3A_378, %dma_wait3A_381, %dma_wait3A_382] : memref<2x16x1024xf32, #tpu.memory_space<vmem>> -> memref<1x16x1024xf32, #tpu.memory_space<vmem>>
          %dma_wait3A_384 = tpu.memref_squeeze %dma_wait3A_383 : memref<1x16x1024xf32, #tpu.memory_space<vmem>> -> memref<16x1024xf32, #tpu.memory_space<vmem>>
          %dma_wait3A_385 = arith.constant 0 : i32
          %dma_wait3A_386 = tpu.memref_slice %arg4[%mul3A_380, %dma_wait3A_385] : memref<16384x1024xf32, #tpu.memory_space<hbm>> -> memref<16x1024xf32, #tpu.memory_space<hbm>>
          %dma_wait3A_387 = tpu.memref_slice %run_scoped3A_11[%rem3A_378] : memref<2x!tpu.dma_semaphore, #tpu.memory_space<semaphore_mem>> -> memref<1x!tpu.dma_semaphore, #tpu.memory_space<semaphore_mem>>
          %dma_wait3A_388 = tpu.memref_squeeze %dma_wait3A_387 : memref<1x!tpu.dma_semaphore, #tpu.memory_space<semaphore_mem>> -> memref<!tpu.dma_semaphore, #tpu.memory_space<semaphore_mem>>
          %dma_wait3A_389 = arith.constant 0 : i32
          %dma_wait3A_390 = tpu.memref_slice %arg4[%mul3A_380, %dma_wait3A_389] : memref<16384x1024xf32, #tpu.memory_space<hbm>> -> memref<16x1024xf32, #tpu.memory_space<hbm>>
          %dma_wait3A_391 = arith.constant 0 : i32
          %dma_wait3A_392 = arith.constant 0 : i32
          %dma_wait3A_393 = tpu.memref_slice %run_scoped3A_10[%rem3A_378, %dma_wait3A_391, %dma_wait3A_392] : memref<2x16x1024xf32, #tpu.memory_space<vmem>> -> memref<1x16x1024xf32, #tpu.memory_space<vmem>>
          %dma_wait3A_394 = tpu.memref_squeeze %dma_wait3A_393 : memref<1x16x1024xf32, #tpu.memory_space<vmem>> -> memref<16x1024xf32, #tpu.memory_space<vmem>>
          tpu.wait_dma2 semaphore(%dma_wait3A_388 : memref<!tpu.dma_semaphore, #tpu.memory_space<semaphore_mem>>) src(%dma_wait3A_394 : memref<16x1024xf32, #tpu.memory_space<vmem>>) dst(%dma_wait3A_390 : memref<16x1024xf32, #tpu.memory_space<hbm>>)
          "tpu.trace_stop"() : () -> ()
        } else {
        }
        %and3A_346 = arith.constant true
        %and3A_347 = arith.andi %and3A_342, %and3A_346 : i1
        %add3A_348 = arith.constant 1 : i32
        %add3A_349 = arith.addi %scan3A_155, %add3A_348 : i32
        %select_n3A_350 = arith.select %and3A_347, %add3A_349, %scan3A_155 : i32
        %ne3A_351 = arith.cmpi ne, %add3A_161, %add3A_179 : i32
        %or3A_352 = arith.constant false
        %or3A_353 = arith.ori %or3A_352, %ne3A_351 : i1
        %or3A_354 = arith.constant false
        %or3A_355 = arith.ori %or3A_353, %or3A_354 : i1
        %or3A_356 = arith.ori %or3A_355, %eq3A_160 : i1
        %add3A_357 = arith.constant 1 : i32
        %add3A_358 = arith.addi %scan3A_151, %add3A_357 : i32
        %select_n3A_359 = arith.select %or3A_356, %add3A_358, %scan3A_151 : i32
        %ne3A_360 = arith.cmpi ne, %add3A_161, %add3A_179 : i32
        %or3A_361 = arith.constant false
        %or3A_362 = arith.ori %or3A_361, %ne3A_360 : i1
        %or3A_363 = arith.constant false
        %or3A_364 = arith.ori %or3A_362, %or3A_363 : i1
        %or3A_365 = arith.ori %or3A_364, %eq3A_160 : i1
        %add3A_366 = arith.constant 1 : i32
        %add3A_367 = arith.addi %scan3A_153, %add3A_366 : i32
        %select_n3A_368 = arith.select %or3A_365, %add3A_367, %scan3A_153 : i32
        %add3A_369 = arith.constant 1 : i32
        %add3A_370 = arith.addi %scan3A_156, %add3A_369 : i32
        %select_n3A_371 = arith.constant true
        %select_n3A_372 = arith.select %select_n3A_371, %add3A_370, %scan3A_156 : i32
        %eq3A_373 = arith.constant 32 : i32
        %eq3A_374 = arith.cmpi eq, %select_n3A_372, %eq3A_373 : i32
        %select_n3A_375 = arith.constant 0 : i32
        %select_n3A_376 = arith.select %eq3A_374, %select_n3A_375, %select_n3A_372 : i32
        scf.yield %select_n3A_199, %select_n3A_359, %select_n3A_217, %select_n3A_368, %select_n3A_308, %select_n3A_350, %select_n3A_376 : i32, i32, i32, i32, i32, i32, i32
      }
      %scan3A_96 = arith.constant 32 : i32
      %sub3A = arith.constant 1 : i32
      %sub3A_97 = arith.subi %scan3A_95#6, %sub3A : i32
      %select_n3A_98 = arith.constant true
      %select_n3A_99 = arith.select %select_n3A_98, %sub3A_97, %scan3A_95#6 : i32
      %eq3A_100 = arith.constant -1 : i32
      %eq3A_101 = arith.cmpi eq, %select_n3A_99, %eq3A_100 : i32
      %select_n3A_102 = arith.constant 31 : i32
      %select_n3A_103 = arith.select %eq3A_101, %select_n3A_102, %select_n3A_99 : i32
      %add3A_104 = arith.addi %select_n3A_103, %mul3A_6 : i32
      %sub3A_105 = arith.constant 1 : i32
      %sub3A_106 = arith.subi %select_n3A_103, %sub3A_105 : i32
      %select_n3A_107 = arith.constant true
      %select_n3A_108 = arith.select %select_n3A_107, %sub3A_106, %select_n3A_103 : i32
      %eq3A_109 = arith.constant -1 : i32
      %eq3A_110 = arith.cmpi eq, %select_n3A_108, %eq3A_109 : i32
      %select_n3A_111 = arith.constant 31 : i32
      %select_n3A_112 = arith.select %eq3A_110, %select_n3A_111, %select_n3A_108 : i32
      %add3A_113 = arith.addi %select_n3A_112, %mul3A_6 : i32
      %add3A_114 = arith.constant 1 : i32
      %add3A_115 = arith.addi %select_n3A_103, %add3A_114 : i32
      %select_n3A_116 = arith.constant true
      %select_n3A_117 = arith.select %select_n3A_116, %add3A_115, %select_n3A_103 : i32
      %eq3A_118 = arith.constant 32 : i32
      %eq3A_119 = arith.cmpi eq, %select_n3A_117, %eq3A_118 : i32
      %select_n3A_120 = arith.constant 0 : i32
      %select_n3A_121 = arith.select %eq3A_119, %select_n3A_120, %select_n3A_117 : i32
      %add3A_122 = arith.addi %select_n3A_121, %mul3A_6 : i32
      %add3A_123 = arith.constant 1 : i32
      %add3A_124 = arith.addi %select_n3A_121, %add3A_123 : i32
      %select_n3A_125 = arith.constant true
      %select_n3A_126 = arith.select %select_n3A_125, %add3A_124, %select_n3A_121 : i32
      %eq3A_127 = arith.constant 32 : i32
      %eq3A_128 = arith.cmpi eq, %select_n3A_126, %eq3A_127 : i32
      %select_n3A_129 = arith.constant 0 : i32
      %select_n3A_130 = arith.select %eq3A_128, %select_n3A_129, %select_n3A_126 : i32
      %add3A_131 = arith.addi %select_n3A_130, %mul3A_6 : i32
      "tpu.trace_start"() <{level = 10 : i32, message = "ep_finalize"}> : () -> ()
      %rem3A_132 = arith.constant 2 : i32
      %rem3A_133 = arith.remui %scan3A_95#5, %rem3A_132 : i32
      %mul3A_134 = arith.constant 16 : i32
      %mul3A_135 = arith.muli %mul3A_134, %add3A_104 : i32
      %dma_wait3A = arith.constant 0 : i32
      %dma_wait3A_136 = arith.constant 0 : i32
      %dma_wait3A_137 = tpu.memref_slice %run_scoped3A_10[%rem3A_133, %dma_wait3A, %dma_wait3A_136] : memref<2x16x1024xf32, #tpu.memory_space<vmem>> -> memref<1x16x1024xf32, #tpu.memory_space<vmem>>
      %dma_wait3A_138 = tpu.memref_squeeze %dma_wait3A_137 : memref<1x16x1024xf32, #tpu.memory_space<vmem>> -> memref<16x1024xf32, #tpu.memory_space<vmem>>
      %dma_wait3A_139 = arith.constant 0 : i32
      %dma_wait3A_140 = tpu.memref_slice %arg4[%mul3A_135, %dma_wait3A_139] : memref<16384x1024xf32, #tpu.memory_space<hbm>> -> memref<16x1024xf32, #tpu.memory_space<hbm>>
      %dma_wait3A_141 = tpu.memref_slice %run_scoped3A_11[%rem3A_133] : memref<2x!tpu.dma_semaphore, #tpu.memory_space<semaphore_mem>> -> memref<1x!tpu.dma_semaphore, #tpu.memory_space<semaphore_mem>>
      %dma_wait3A_142 = tpu.memref_squeeze %dma_wait3A_141 : memref<1x!tpu.dma_semaphore, #tpu.memory_space<semaphore_mem>> -> memref<!tpu.dma_semaphore, #tpu.memory_space<semaphore_mem>>
      %dma_wait3A_143 = arith.constant 0 : i32
      %dma_wait3A_144 = tpu.memref_slice %arg4[%mul3A_135, %dma_wait3A_143] : memref<16384x1024xf32, #tpu.memory_space<hbm>> -> memref<16x1024xf32, #tpu.memory_space<hbm>>
      %dma_wait3A_145 = arith.constant 0 : i32
      %dma_wait3A_146 = arith.constant 0 : i32
      %dma_wait3A_147 = tpu.memref_slice %run_scoped3A_10[%rem3A_133, %dma_wait3A_145, %dma_wait3A_146] : memref<2x16x1024xf32, #tpu.memory_space<vmem>> -> memref<1x16x1024xf32, #tpu.memory_space<vmem>>
      %dma_wait3A_148 = tpu.memref_squeeze %dma_wait3A_147 : memref<1x16x1024xf32, #tpu.memory_space<vmem>> -> memref<16x1024xf32, #tpu.memory_space<vmem>>
      tpu.wait_dma2 semaphore(%dma_wait3A_142 : memref<!tpu.dma_semaphore, #tpu.memory_space<semaphore_mem>>) src(%dma_wait3A_148 : memref<16x1024xf32, #tpu.memory_space<vmem>>) dst(%dma_wait3A_144 : memref<16x1024xf32, #tpu.memory_space<hbm>>)
      "tpu.trace_stop"() : () -> ()
      tpu.yield
    }) : () -> ()
    return
  }
}

module attributes {stable_mosaic.version = 14 : i64} {
  func.func @_mask_body(%arg0: i32, %arg1: memref<2048x1024xf32, #tpu.memory_space<vmem>>, %arg2: memref<2x1024xf32, #tpu.memory_space<vmem>>, %arg3: memref<1x2xf32, #tpu.memory_space<vmem>>, %arg4: memref<2048x2xf32, #tpu.memory_space<vmem>>, %arg5: memref<2048x1xf32, #tpu.memory_space<vmem>>) attributes {dimension_semantics = [#tpu.dimension_semantics<arbitrary>], iteration_bounds = array<i64: 8>, scalar_prefetch = 0 : i64, scratch_operands = 0 : i64, tpu.core_type = #tpu.core_type<tc>, window_params = [{transform_indices = @transform_0, window_bounds = array<i64: 2048, 1024>}, {pipeline_mode = #tpu.pipeline_mode<synchronous>, transform_indices = @transform_1, window_bounds = array<i64: 2, 1024>}, {pipeline_mode = #tpu.pipeline_mode<synchronous>, transform_indices = @transform_2, window_bounds = array<i64: 1, 2>}, {transform_indices = @transform_3, window_bounds = array<i64: 2048, 2>}, {transform_indices = @transform_4, window_bounds = array<i64: 2048, 1>}]} {
    %get3A = arith.constant 0 : index
    %get3A_0 = arith.constant 0 : index
    %get3A_1 = vector.load %arg1[%get3A, %get3A_0] : memref<2048x1024xf32, #tpu.memory_space<vmem>>, vector<2048x1024xf32>
    %get3A_2 = arith.constant 0 : index
    %get3A_3 = arith.constant 0 : index
    %get3A_4 = vector.load %arg2[%get3A_2, %get3A_3] : memref<2x1024xf32, #tpu.memory_space<vmem>>, vector<2x1024xf32>
    %dot_general3A = arith.constant dense<0.000000e+00> : vector<2048x2xf32>
    %dot_general3A_5 = tpu.matmul %get3A_1, %get3A_4, %dot_general3A {dimension_numbers = #tpu.dot_dimension_numbers<[1], [1], [0], [0], [0, 0, 1, 0], [], []>, transpose_lhs_hint = false} : vector<2048x1024xf32>, vector<2x1024xf32>, vector<2048x2xf32> -> vector<2048x2xf32>
    %get3A_6 = arith.constant 0 : index
    %get3A_7 = arith.constant 0 : index
    %get3A_8 = vector.load %arg3[%get3A_6, %get3A_7] : memref<1x2xf32, #tpu.memory_space<vmem>>, vector<1x2xf32>
    %add3A = vector.broadcast %get3A_8 : vector<1x2xf32> to vector<2048x2xf32>
    %add3A_9 = arith.addf %dot_general3A_5, %add3A : vector<2048x2xf32>
    %get3A_10 = arith.constant 0 : index
    %get3A_11 = arith.constant 0 : index
    %get3A_12 = vector.load %arg4[%get3A_10, %get3A_11] : memref<2048x2xf32, #tpu.memory_space<vmem>>, vector<2048x2xf32>
    %add3A_13 = arith.constant 1.000000e-10 : f32
    %add3A_14 = vector.broadcast %add3A_13 : f32 to vector<2048x2xf32>
    %add3A_15 = arith.addf %get3A_12, %add3A_14 : vector<2048x2xf32>
    %log3A = math.log %add3A_15 : vector<2048x2xf32>
    %neg3A = arith.constant 0.000000e+00 : f32
    %neg3A_16 = vector.broadcast %neg3A : f32 to vector<2048x2xf32>
    %neg3A_17 = arith.subf %neg3A_16, %log3A : vector<2048x2xf32>
    %add3A_18 = arith.constant 1.000000e-10 : f32
    %add3A_19 = vector.broadcast %add3A_18 : f32 to vector<2048x2xf32>
    %add3A_20 = arith.addf %neg3A_17, %add3A_19 : vector<2048x2xf32>
    %log3A_21 = math.log %add3A_20 : vector<2048x2xf32>
    %neg3A_22 = arith.constant 0.000000e+00 : f32
    %neg3A_23 = vector.broadcast %neg3A_22 : f32 to vector<2048x2xf32>
    %neg3A_24 = arith.subf %neg3A_23, %log3A_21 : vector<2048x2xf32>
    %add3A_25 = arith.addf %add3A_9, %neg3A_24 : vector<2048x2xf32>
    %div3A = arith.constant 5.000000e-01 : f32
    %div3A_26 = vector.broadcast %div3A : f32 to vector<2048x2xf32>
    %div3A_27 = arith.divf %add3A_25, %div3A_26 : vector<2048x2xf32>
    %slice3A = vector.extract_strided_slice %div3A_27 {offsets = [0, 1], sizes = [2048, 1], strides = [1, 1]} : vector<2048x2xf32> to vector<2048x1xf32>
    %squeeze3A = vector.shape_cast %slice3A : vector<2048x1xf32> to vector<2048xf32>
    %slice3A_28 = vector.extract_strided_slice %div3A_27 {offsets = [0, 0], sizes = [2048, 1], strides = [1, 1]} : vector<2048x2xf32> to vector<2048x1xf32>
    %squeeze3A_29 = vector.shape_cast %slice3A_28 : vector<2048x1xf32> to vector<2048xf32>
    %gt3A = arith.cmpf ogt, %squeeze3A, %squeeze3A_29 : vector<2048xf32>
    %convert_element_type3A = arith.extui %gt3A : vector<2048xi1> to vector<2048xi32>
    %convert_element_type3A_30 = arith.sitofp %convert_element_type3A : vector<2048xi32> to vector<2048xf32>
    %broadcast_in_dim3A = vector.shape_cast %convert_element_type3A_30 : vector<2048xf32> to vector<2048x1xf32>
    %swap3A = arith.constant 0 : index
    %swap3A_31 = arith.constant 0 : index
    %swap3A_32 = vector.load %arg5[%swap3A, %swap3A_31] : memref<2048x1xf32, #tpu.memory_space<vmem>>, vector<2048x1xf32>
    tpu.vector_store %arg5[%swap3A, %swap3A_31], %broadcast_in_dim3A {strides = array<i32>} : memref<2048x1xf32, #tpu.memory_space<vmem>>, vector<2048x1xf32>,
    return
  }
  func.func @transform_0(%arg0: i32) -> (i32, i32) {
    %c0_i32 = arith.constant 0 : i32
    %c0_i32_0 = arith.constant 0 : i32
    return %arg0, %c0_i32 : i32, i32
  }
  func.func @transform_1(%arg0: i32) -> (i32, i32) {
    %c0_i32 = arith.constant 0 : i32
    %c0_i32_0 = arith.constant 0 : i32
    %c0_i32_1 = arith.constant 0 : i32
    return %c0_i32, %c0_i32_0 : i32, i32
  }
  func.func @transform_2(%arg0: i32) -> (i32, i32) {
    %c0_i32 = arith.constant 0 : i32
    %c0_i32_0 = arith.constant 0 : i32
    %c0_i32_1 = arith.constant 0 : i32
    return %c0_i32, %c0_i32_0 : i32, i32
  }
  func.func @transform_3(%arg0: i32) -> (i32, i32) {
    %c0_i32 = arith.constant 0 : i32
    %c0_i32_0 = arith.constant 0 : i32
    return %arg0, %c0_i32 : i32, i32
  }
  func.func @transform_4(%arg0: i32) -> (i32, i32) {
    %c0_i32 = arith.constant 0 : i32
    %c0_i32_0 = arith.constant 0 : i32
    return %arg0, %c0_i32 : i32, i32
  }
}

</mosaic_0001>

<sc_bundles>
// kernel: kernel.4.cloned.1.call-start
scs
__scs_entry_jumppad:
0x0: {  	(pc) =	sbr.rel $0x88, $3  }
0x1: {  	(tag) =	ssettag $0x0;
	lr =	simm.s32 $0x1  }
0x2: {  	[smem:$0x3F9D] =	sst lr;
	_ =	strace $0xD0000000  }
0x3: {  	_ = 	snop  }
0x4: {  	_ = 	snop  }
0x5: {  	_ = 	snop  }
0x6: {  	_ = 	snop  }
0x7: {  	_ = 	snop  }
__scs_overlays_trampoline_lowered:
0x8: {  	[smem:$0x3FAC] =	sst s0  }
0x9: {  	[smem:$0x3FAD] =	sst s1  }
0xa: {  	[smem:$0x3FAE] =	sst s2  }
0xb: {  	[smem:$0x3FAF] =	sst s3  }
0xc: {  	[smem:$0x3FB0] =	sst s4  }
0xd: {  	[smem:$0x3FB1] =	sst s5  }
0xe: {  	[smem:$0x3FB2] =	sst s6  }
0xf: {  	[smem:$0x3FB3] =	sst s7  }
0x10: {  	[smem:$0x3FB4] =	sst s8  }
0x11: {  	[smem:$0x3FB5] =	sst s9;
	s0 =	simm.s32 @!p0 $0x0  }
0x12: {  	s1 =	sld [smem:$0x3F9B];
	s0 =	simm.s32 @p0 $0x1  }
0x13: {  	[smem:$0x3FB6] =	sst s0;
	s0 =	simm.s32 @!p1 $0x0  }
0x14: {  	s2 =	sld [smem:$0x3F9A];
	s0 =	simm.s32 @p1 $0x1  }
0x15: {  	[smem:$0x3FB7] =	sst s0;
	s0 =	simm.s32 @!p2 $0x0  }
0x16: {  	s3 =	sld [smem:$0x3FDB];
	s0 =	simm.s32 @p2 $0x1  }
0x17: {  	s4 =	simm.s32 $0x1BF5;
	[smem:$0x3FB9] =	sst s0  }
0x18: {  	s0 =	sld [smem:$0x3F9C];
	_ =	swait.ge [sflag:s4], $0x0  }
0x19: {  	s7 =	sld [smem:$0x3F9D]  }
0x1a: {  	s8 =	sadd.s32 $0xFFFFE003, lr  }
0x1b: {  	s9 =	sadd.s32 $0xFFFFFEF7, lr;
	s5 =	simm.s32 $0xFFFFFFFF;
	p2 =	slt.u32 s8, $0xFFFFF086  }
0x1c: {  	p1 =	slt.u32 s9, $0xF7A;
	s5 =	simm.s32 @!p2 $0x0  }
0x1d: {  	s5 =	simm.s32 @p1 $0x1;
	p0 =	seq.s32 s7, s2  }
0x1e: {  	s7 =	smul.u32 @!p0 $0xF7A, s2;
	p2 =	seq.s32 @!p0 s5, $0x0  }
0x1f: {  	s9 =	smul.u32 $0xF7A, s1;
	s8 =	simm.s32 @!p0 $0x1BF5;
	p2 =	por !p2, p0  }
0x20: {  	[sflag:s8] =	ssyncset.s32 @!p0 $0xFFFFF086;
	s6 =	sadd.s32 @!p0 s3, s7;
	s7 =	simm.s32 @!p0 $0x108  }
0x21: {  	s3 =	sadd.s32 s3, s9;
	s6 =	sadd.s32 @!p0 $0x88, s6;
	s7 =	simm.s32 @p2 $0x1082  }
0x22: {  	[simem:s7], [sflag:s8] =	dma.local @!p0 [hbm:s6], $0xF7A  }
0x23: {  	s9 =	sor.u32 $0xD0000000, s2;
	s6 =	simm.s32 $0x108;
	_ =	swait.ge @!p0 [sflag:s8], $0x0  }
0x24: {  	s3 =	sadd.s32 $0x88, s3;
	s6 =	simm.s32 @!p1 $0x1082;
	[sflag:s4] =	ssyncset.s32 $0xFFFFF086  }
0x25: {  	[simem:s6], [sflag:s4] =	dma.local [hbm:s3], $0xF7A  }
0x26: {  	[smem:$0x3F9D] =	sst s1;
	(tag) =	ssettag s2;
	_ =	strace s9  }
0x27: {  	s1 =	sld [smem:$0x3FAD]  }
0x28: {  	s2 =	sld [smem:$0x3FAE]  }
0x29: {  	s4 =	sld [smem:$0x3FB0]  }
0x2a: {  	p0 =	seq.s32 s5, $0x0;
	s5 =	sld [smem:$0x3FB1]  }
0x2b: {  	s6 =	sld [smem:$0x3FB2]  }
0x2c: {  	s7 =	sld [smem:$0x3FB3]  }
0x2d: {  	s3 =	simm.s32 $0x108;
	s8 =	sld [smem:$0x3FB4]  }
0x2e: {  	s3 =	simm.s32 @!p0 $0x1082;
	s9 =	sld [smem:$0x3FB5]  }
0x2f: {  	lr =	sadd.s32 s0, s3;
	s0 =	sld [smem:$0x3FAC]  }
0x30: {  	s3 =	sld [smem:$0x3FAF]  }
0x31: {  	[smem:$0x3FB8] =	sst s10  }
0x32: {  	s10 =	sld [smem:$0x3FB6];
	_ =	sdelay $0x3  }
0x33: {  	p0 =	seq.s32 s10, $0x1;
	s10 =	sld [smem:$0x3FB8];
	_ =	sdelay $0x3  }
0x34: {  	[smem:$0x3FB8] =	sst s10  }
0x35: {  	s10 =	sld [smem:$0x3FB7];
	_ =	sdelay $0x3  }
0x36: {  	p1 =	seq.s32 s10, $0x1;
	s10 =	sld [smem:$0x3FB8];
	_ =	sdelay $0x3  }
0x37: {  	[smem:$0x3FB8] =	sst s10  }
0x38: {  	s10 =	sld [smem:$0x3FB9]  }
0x39: {  	_ = 	snop;
	(pc) =	sbr.ind lr, $3  }
0x3a: {  	_ = 	snop  }
0x3b: {  	_ = 	snop  }
0x3c: {  	p2 =	seq.s32 s10, $0x1;
	s10 =	sld [smem:$0x3FB8]  }
0x3d: {  	_ =	shalt  }
0x3e: {  	_ =	shalt  }
0x3f: {  	_ =	shalt  }
0x40: {  	_ =	shalt  }
0x41: {  	_ =	shalt  }
0x42: {  	_ =	shalt  }
0x43: {  	_ =	shalt  }
0x44: {  	_ =	shalt  }
0x45: {  	_ =	shalt  }
0x46: {  	_ =	shalt  }
0x47: {  	_ =	shalt  }
0x48: {  	_ =	shalt  }
0x49: {  	_ =	shalt  }
0x4a: {  	_ =	shalt  }
0x4b: {  	_ =	shalt  }
0x4c: {  	_ =	shalt  }
0x4d: {  	_ =	shalt  }
0x4e: {  	_ =	shalt  }
0x4f: {  	_ =	shalt  }
0x50: {  	_ =	shalt  }
0x51: {  	_ =	shalt  }
0x52: {  	_ =	shalt  }
0x53: {  	_ =	shalt  }
0x54: {  	_ =	shalt  }
0x55: {  	_ =	shalt  }
0x56: {  	_ =	shalt  }
0x57: {  	_ =	shalt  }
0x58: {  	_ =	shalt  }
0x59: {  	_ =	shalt  }
0x5a: {  	_ =	shalt  }
0x5b: {  	_ =	shalt  }
0x5c: {  	_ =	shalt  }
0x5d: {  	_ =	shalt  }
0x5e: {  	_ =	shalt  }
0x5f: {  	_ =	shalt  }
0x60: {  	_ =	shalt  }
0x61: {  	_ =	shalt  }
0x62: {  	_ =	shalt  }
0x63: {  	_ =	shalt  }
0x64: {  	_ =	shalt  }
0x65: {  	_ =	shalt  }
0x66: {  	_ =	shalt  }
0x67: {  	_ =	shalt  }
0x68: {  	_ =	shalt  }
0x69: {  	_ =	shalt  }
0x6a: {  	_ =	shalt  }
0x6b: {  	_ =	shalt  }
0x6c: {  	_ =	shalt  }
0x6d: {  	_ =	shalt  }
0x6e: {  	_ =	shalt  }
0x6f: {  	_ =	shalt  }
0x70: {  	_ =	shalt  }
0x71: {  	_ =	shalt  }
0x72: {  	_ =	shalt  }
0x73: {  	_ =	shalt  }
0x74: {  	_ =	shalt  }
0x75: {  	_ =	shalt  }
0x76: {  	_ =	shalt  }
0x77: {  	_ =	shalt  }
0x78: {  	_ =	shalt  }
0x79: {  	_ =	shalt  }
0x7a: {  	_ =	shalt  }
0x7b: {  	_ =	shalt  }
0x7c: {  	_ =	shalt  }
0x7d: {  	_ =	shalt  }
0x7e: {  	_ =	shalt  }
0x7f: {  	_ =	shalt  }
0x80: {  	_ =	shalt  }
0x81: {  	_ =	shalt  }
0x82: {  	_ =	shalt  }
0x83: {  	_ =	shalt  }
0x84: {  	_ =	shalt  }
0x85: {  	_ =	shalt  }
0x86: {  	_ =	shalt  }
0x87: {  	_ =	shalt  }
.Lfunc_end0:
.L_simem_size_0:
called_computation_lowered:
.L_overlay_start_0:
0x88: {  	s2 =	sld [smem:$0x3FD9]  }
0x89: {  	s3 =	sld [smem:$0x3FFE];
	_ =	sdelay $0x1  }
0x8a: {  	s1 =	srdreg.scid  }
0x8b: {  	s0 =	sand.u32 $0x1, s1  }
0x8c: {  	s17 =	sshll.u32 s0, $0xA;
	s2 =	sadd.s32 s3, s2  }
0x8d: {  	s2 =	sadd.s32 s2, s17  }
0x8e: {  	[smem:$0x3FC4] =	sst s2  }
0x8f: {  	_ = 	snop  }
0x90: {  	s2 =	sld [smem:$0x3FC9]  }
0x91: {  	s18 =	sld [smem:$0x3FD0];
	(tm) =	ssettm $0x1  }
0x92: {  	s4 =	sld [smem:$0x3FFB];
	_ =	sdelay $0x3  }
0x93: {  	_ =	strace s4  }
0x94: {  	s4 =	sld [smem:$0x3FFC];
	_ =	sdelay $0x3  }
0x95: {  	_ =	strace s4  }
0x96: {  	s4 =	sld [smem:$0x3FFD];
	_ =	sdelay $0x3  }
0x97: {  	_ =	strace s4  }
0x98: {  	_ =	strace $0x8FFFFFFF  }
0x99: {  	s19 =	sld [smem:$0x3FDB];
	_ =	sdelay $0x1  }
0x9a: {  	s5 =	simm.s32 $_scs_section_size  }
0x9b: {  	s6 =	simm.s32 $_size__tile_overlayer_lowered;
	s7 =	simm.s32 $_tile_overlayer_lowered  }
0x9c: {  	s22 =	simm.s32 $0x1BFF;
	s21 =	sshll.u32 s7, $0x1;
	s4 =	sadd.s32 s5, s19  }
0x9d: {  	s8 =	simm.s32 $0x0;
	s20 =	sshll.u32 s6, $0x1;
	s6 =	sadd.s32 s21, s4  }
0x9e: {  	[timem:s8], [sflag:s22] =	dma.local [hbm:s6], s20  }
0x9f: {  	_ =	swait.ge [sflag:s22], s20  }
0xa0: {  	s5 =	ssub.s32 $0x0, s20;
	[sflag:s22] =	ssyncset.done $0x0  }
0xa1: {  	[sflag:s22] =	ssyncadd.s32 s5;
	_ =	sdelay $0x1  }
0xa2: {  	s23 =	simm.s32 $0x1B8B  }
0xa3: {  	_ =	swait.ge [sflag:s23], $0x1  }
0xa4: {  	[sflag:s23] =	ssyncset.done $0x0  }
0xa5: {  	s25 =	simm.s32 $0x1B8E;
	s24 =	sld [smem:$0x3FFE];
	[sflag:s23] =	ssyncadd.s32 $0xFFFFFFFF  }
0xa6: {  	s26 =	simm.s32 $execute0_lowered;
	[smem:$0x3FD2] =	sst s25  }
0xa7: {  	s6 =	sshll.u32 s26, $0x1;
	_ =	strace $0x80000046;
	[dreg:$0x1] =	wrdreg $0xFFFFFFFF  }
0xa8: {  	s28 =	simm.s32 $_size_execute0_lowered;
	s4 =	sadd.s32 s4, s6;
	[dreg:$0x0] =	wrdreg $0x0  }
0xa9: {  	s6 =	sshll.u32 s28, $0x1;
	[dreg:$0x2] =	wrdreg s4  }
0xaa: {  	[dreg:$0x3] =	wrdreg s6  }
0xab: {  	[dreg:$0x4] =	wrdreg $0xC0  }
0xac: {  	_ =	task [dreg:s8], $0x5FFFF  }
0xad: {  	[dreg:$0x1] =	wrdreg $0xFFFFFFFF  }
0xae: {  	[dreg:$0x0] =	wrdreg $0x60  }
0xaf: {  	[dreg:$0x2] =	wrdreg s2  }
0xb0: {  	[dreg:$0x3] =	wrdreg s24  }
0xb1: {  	[dreg:$0x4] =	wrdreg s18  }
0xb2: {  	[dreg:$0x5] =	wrdreg $0x9  }
0xb3: {  	_ =	task.clear_ibuf [dreg:s8], $0x6FFFF;
	_ =	strace $0x90000046  }
0xb4: {  	s29 =	simm.s32 $0x9;
	_ =	strace $0x80000051  }
0xb5: {  	_ =	swait.ge [sflag:s29], $0x1  }
0xb6: {  	[sflag:s29] =	ssyncadd.s32 $0xFFFFFFFF  }
0xb7: {  	_ =	strace $0x90000051  }
0xb8: {  	_ =	sfence  }
0xb9: {  	s30 =	sld [smem:$0x0];
	_ =	sdelay $0x2  }
0xba: {  	s31 =	sshll.u32 s1, $0xD;
	s1 =	sshrl.u32 s1, $0x2  }
0xbb: {  	s3 =	sand.u32 $0x4000, s31;
	s1 =	sadd.s32 s1, s30  }
0xbc: {  	s0 =	sor.u32 s3, s0;
	s1 =	sshll.u32 s1, $0x11  }
0xbd: {  	s0 =	sor.u32 s1, s0  }
0xbe: {  	s0 =	sadd.s32 $0x8F2B, s0  }
0xbf: {  	[sflag:s0] =	ssyncadd.remote.s32 $0x1  }
0xc0: {  	_ =	sfence.sel $0xFFFF  }
0xc1: {  	[dreg:$0x0] =	wrdreg $0xFFFFFFFF;
	(pc) =	sbr.abs _section_cstart, $3  }
0xc2: {  	[dreg:$0x1] =	wrdreg $0xFFFFFFFF  }
0xc3: {  	_ =	task.clear_ibuf [dreg:s8], $0x2FFFF;
	_ =	strace $0x9FFFFFFF  }
0xc4: {  	(tm) =	ssettm $0x7FFFFFFF  }
0xc5: {  	_ =	shalt  }
tec
execute0_lowered:
.L_overlay_start_1:
0x0: {  	(tag) =	ssettag $0x1  }
0x1: {  	s1 =	rddreg [dreg:$0x0]  }
0x2: {  	s0 =	rddreg [dreg:$0x1]  }
0x3: {  	s2 =	rddreg [dreg:$0x2]  }
0x4: {  	s3 =	simm.s32 $0x0;
	s4 =	srdreg.scid;
	s8 =	stileid.u32  }
0x5: {  	s11 =	simm.s32 $0x6;
	s12 =	simm.s32 $0x0;
	s4 =	sand.u32 $0x1, s4  }
0x6: {  	s26 =	simm.s32 $0x0;
	[smem:$0x7FF] =	sst s3;
	s6 =	ssub.s32 $0x2, s4  }
0x7: {  	s5 =	sadd.s32 $0x400, s0;
	s4 =	sshll.u32 s4, $0x4;
	s7 =	sshrl.u32 s6, $0x1  }
0x8: {  	_ =	strace $0x80000047;
	s4 =	sor.u32 s8, s4;
	s30 =	ssub.s32 s6, s7  }
0x9: {  	s6 =	sshll.u32 s4, $0x5;
	s31 =	sshll.u32 s4, $0x10;
	s4 =	sshll.u32 s4, $0x9  }
0xa: {  	s7 =	sadd.s32 s1, s31;
	s8 =	sadd.s32 s5, s4;
	s9 =	smax.u32 s30, $0x1  }
.LBB2_1:
0xb: {  	_ =	strace $0x80000048;
	s0 =	simm.s32 $0x8000  }
0xc: {  	s21 =	simm.s32 $0x0;
	s13 =	simm.s32 $0x0;
	s14 =	simm.s32 $0x0  }
0xd: {  	[tilespmem:s3], [sflag:$0x1] =	stream.linear.gather [hbm4b:s7+s3], $0x4000, $0x200038;
	[tilespmem:$0x10100] =	vst v63  }
0xe: {  	s15 =	simm.s32 $0x0;
	s16 =	simm.s32 $0x1;
	s17 =	simm.s32 $0x0  }
0xf: {  	[tilespmem:s0], [sflag:$0x3] =	stream.linear.gather [hbm4b:s8+s3], $0x80, $0x200038;
	[tilespmem:$0x10100] =	vst v63  }
0x10: {  	s18 =	simm.s32 $0x1;
	s19 =	simm.s32 $0x0;
	_ =	strace $0x90000048  }
.LBB2_2:
0x11: {  	s20 =	sadd.s32 $0x1, s21  }
0x12: {  	p0 =	seq.s32 s20, $0x20  }
0x13: {  	s20 =	simm.s32 @p0 $0x0;
	p0 =	seq.s32 s19, $0x1F  }
0x14: {  	p1 =	seq.s32 @!p0 s21, s20  }
0x15: {  	p2 =	por p1, p0  }
0x16: {  	s4 =	sadd.s32 @!p2 s6, s20  }
0x17: {  	_ =	strace @!p2 $0x80000049;
	s22 =	sshll.u32 @!p2 s4, $0xB  }
0x18: {  	s10 =	sand.u32 @!p2 $0x1, s18;
	s24 =	simm.s32 @!p2 $0x0;
	s22 =	sand.u32 @!p2 $0x1FFFF800, s22  }
0x19: {  	s23 =	sshll.u32 @!p2 s10, $0xE;
	s10 =	sadd.s32 @!p2 $0x1, s10;
	s22 =	sadd.s32 @!p2 s1, s22  }
0x1a: {  	[tilespmem:s23], [sflag:s10] =	stream.linear.gather @!p2 [hbm4b:s22+s24], $0x4000, $0x200038;
	[tilespmem:$0x10100] =	vst v63  }
0x1b: {  	s4 =	sshll.u32 @!p2 s4, $0x7;
	s10 =	sshll.u32 @!p2 s20, $0x7  }
0x1c: {  	s4 =	sand.u32 @!p2 $0xFFFFFC00, s4;
	s10 =	sand.u32 @!p2 $0x380, s10  }
0x1d: {  	_ =	strace @!p2 $0x90000049;
	s4 =	sor.u32 @!p2 s10, s4;
	s10 =	sand.u32 @!p2 $0x1, s16  }
0x1e: {  	_ =	strace @!p2 $0x8000004A;
	s22 =	sshll.u32 @!p2 s10, $0x7;
	s4 =	sshrl.u32 @!p2 s4, $0x3  }
0x1f: {  	s10 =	sadd.s32 @!p2 $0x3, s10;
	s22 =	sor.u32 @!p2 $0x8000, s22;
	s4 =	sadd.s32 @!p2 s5, s4  }
0x20: {  	[tilespmem:s22], [sflag:s10] =	stream.linear.gather @!p2 [hbm4b:s4+s24], $0x80, $0x200038;
	[tilespmem:$0x10100] =	vst v63  }
0x21: {  	s24 =	sand.u32 $0x1, s17;
	_ =	strace @!p2 $0x9000004A  }
0x22: {  	s4 =	sadd.s32 $0x1, s24;
	_ =	strace $0x8000004B  }
0x23: {  	_ =	swait.ge [sflag:s4], $0x4000  }
0x24: {  	[sflag:s4] =	ssyncset.done $0x0  }
0x25: {  	s0 =	smov.u32 s18;
	s25 =	sand.u32 $0x1, s15;
	[sflag:s4] =	ssyncadd.s32 $0xFFFFC000  }
0x26: {  	s29 =	sshll.u32 s15, $0x7;
	s30 =	sshll.u32 s17, $0xE;
	_ =	strace $0x9000004B  }
0x27: {  	s24 =	sand.u32 $0x1, s14;
	s4 =	sadd.s32 $0x3, s25;
	_ =	strace $0x8000004C  }
0x28: {  	p1 =	por !p1, p0;
	s31 =	sshll.u32 s24, $0xE;
	_ =	swait.ge [sflag:s4], $0x80  }
0x29: {  	s10 =	sadd.s32 @!p2 $0x1, s18;
	s25 =	sor.u32 $0x8100, s31;
	[sflag:s4] =	ssyncset.done $0x0  }
0x2a: {  	s22 =	simm.s32 $0x0;
	v2 =	vmov s25;
	[sflag:s4] =	ssyncadd.s32 $0xFFFFFF80;
	s4 =	sand.u32 $0x4000, s30  }
0x2b: {  	s18 =	smov.u32 @p1 s10;
	s22 =	simm.s32 @p1 $0x1;
	_ =	strace $0x9000004C;
	v1 =	vmov s4  }
0x2c: {  	s18 =	smov.u32 @p0 s0;
	s0 =	sand.u32 $0x80, s29;
	_ =	strace $0x8000004D  }
0x2d: {  	s28 =	simm.s32 $0x0;
	s23 =	sadd.s32 s6, s21;
	s22 =	simm.s32 @p0 $0x0;
	v0 =	vld [tilespmem:s0+$0x8000]  }
.LBB2_3:
0x2e: {  	s0 =	sshll.u32 s28, $0xA;
	s4 =	sshll.u32 s28, $0x7  }
0x2f: {  	s0 =	sand.u32 $0x2000, s0;
	s4 =	sand.u32 $0x380, s4  }
0x30: {  	s29 =	sor.u32 s0, s4;
	s4 =	sand.u32 $0x1C00, s26  }
0x31: {  	s10 =	sand.u32 $0x70, s26;
	s0 =	sor.u32 s4, s29  }
0x32: {  	s30 =	sor.u32 s10, s0  }
0x33: {  	v4 =	vld.idx.msk [tilespmem:v1+s30+$0x0 ss:$0x1], $0xffff;
	_ =	sdelay $0x1  }
0x34: {  	v3 =	vmov s28  }
0x35: {  	v3 =	vperm.xlane v0, v3  }
0x36: {  	s31 =	simm.s32 $0x80  }
0x37: {  	s4 =	simm.s32 $0x10;
	s10 =	sand.u32 $0x1C00, s31;
	s0 =	simm.s32 $0x20;
	v4 =	vmul.f32 v4, v3  }
.LBB2_4:
0x38: {  	p1 =	sne.s32 s0, $0x3F0;
	s4 =	sand.u32 $0x70, s4;
	s10 =	sor.u32 s10, s29  }
0x39: {  	[tilespmem:v2+s30+$0x0 ss:$0x1] =	vst.idx.msk $0xffff, v4;
	s30 =	sor.u32 s4, s10;
	s4 =	smov.u32 s0  }
0x3a: {  	v4 =	vld.idx.msk [tilespmem:v1+s30+$0x0 ss:$0x1], $0xffff;
	_ =	sdelay $0x1  }
.Ltmp0:
0x3b: {  	(pc) =	sbr.rel @p1 .LBB2_4-.Ltmp0, $3  }
0x3c: {  	_ =	sdelay $0x1  }
0x3d: {  	s31 =	sadd.s32 $0x80, s31  }
0x3e: {  	s10 =	sand.u32 $0x1C00, s31;
	s0 =	sadd.s32 $0x10, s0;
	v4 =	vmul.f32 v4, v3  }
0x3f: {  	_ =	sdelay $0x2  }
0x40: {  	s0 =	sand.u32 $0x70, s4;
	s31 =	sor.u32 s10, s29  }
0x41: {  	s0 =	sor.u32 s0, s31;
	[tilespmem:v2+s30+$0x0 ss:$0x1] =	vst.idx.msk $0xffff, v4  }
0x42: {  	v4 =	vld.idx.msk [tilespmem:v1+s0+$0x0 ss:$0x1], $0xffff  }
0x43: {  	s28 =	sadd.s32 $0x1, s28  }
0x44: {  	p1 =	sne.s32 s28, $0x10  }
.Ltmp1:
0x45: {  	_ = 	snop;
	(pc) =	sbr.rel @p1 .LBB2_3-.Ltmp1, $3  }
0x46: {  	_ = 	snop  }
0x47: {  	v3 =	vmul.f32 v4, v3;
	_ =	sdelay $0x1  }
0x48: {  	[tilespmem:v2+s0+$0x0 ss:$0x1] =	vst.idx.msk $0xffff, v3  }
0x49: {  	p1 =	sne.s32 s21, s20  }
0x4a: {  	p0 =	por p0, p1  }
0x4b: {  	_ =	strace $0x9000004D;
	s0 =	sshll.u32 @p0 s23, $0xB  }
0x4c: {  	p1 =	seq.s32 s19, $0x0;
	_ =	strace @p0 $0x8000004E;
	s0 =	sand.u32 @p0 $0x1FFFF800, s0  }
0x4d: {  	s4 =	sadd.s32 @p0 $0x5, s24;
	s10 =	simm.s32 @p0 $0x0;
	s0 =	sadd.s32 @p0 s2, s0  }
0x4e: {  	[hbm4b:s0+s10] =	stream.linear.scatter @p0 [tilespmem:s25], [sflag:s4], $0x4000, $0x200038;
	[tilespmem:$0x10100] =	vst v63  }
0x4f: {  	s0 =	sand.u32 @!p1 $0x1, s13;
	_ =	strace @p0 $0x9000004E  }
0x50: {  	s0 =	sadd.s32 @!p1 $0x5, s0;
	_ =	strace @!p1 $0x8000004F  }
0x51: {  	s4 =	simm.s32 $0x1;
	_ =	swait.ge @!p1 [sflag:s0], $0x4000  }
0x52: {  	s4 =	simm.s32 @!p0 $0x0;
	p0 =	sne.s32 s19, $0x0;
	[sflag:s0] =	ssyncset.done @!p1 $0x0  }
0x53: {  	s19 =	sadd.s32 $0x1, s19;
	[sflag:s0] =	ssyncadd.s32 @!p1 $0xFFFFC000;
	s0 =	simm.s32 $0x1  }
0x54: {  	s0 =	simm.s32 @!p0 $0x0;
	p0 =	sne.s32 s19, $0x20  }
.Ltmp2:
0x55: {  	_ = 	snop;
	(pc) =	sbr.rel @p0 .LBB2_2-.Ltmp2, $4  }
0x56: {  	_ = 	snop  }
0x57: {  	s16 =	sadd.s32 s16, s22  }
0x58: {  	s21 =	smov.u32 s20;
	s14 =	sadd.s32 s4, s14;
	s17 =	sadd.s32 s4, s17  }
0x59: {  	s15 =	sadd.s32 s4, s15;
	_ =	strace @!p1 $0x9000004F;
	s13 =	sadd.s32 s0, s13  }
0x5a: {  	s12 =	sadd.s32 $0x1, s12  }
0x5b: {  	p0 =	sne.s32 s12, s9  }
.Ltmp3:
0x5c: {  	_ =	strace $0x80000050;
	(pc) =	sbr.rel @p0 .LBB2_1-.Ltmp3, $4  }
0x5d: {  	_ =	swait.ge [sflag:s11], $0x4000  }
0x5e: {  	[sflag:s11] =	ssyncset.done $0x0  }
0x5f: {  	[sflag:s11] =	ssyncadd.s32 $0xFFFFC000  }
0x60: {  	_ =	strace $0x90000050  }
0x61: {  	_ =	sfence.sel $0x180000  }
0x62: {  	[bflag:$0x0] =	sbarrier.arrive $0xFFFF  }
0x63: {  	_ =	strace $0x90000047  }
0x64: {  	s0 =	stileid.u32;
	[bflag:$0x2] =	sbarrier.arrive $0xFFFF  }
0x65: {  	p0 =	sne.s32 s0, $0x0;
	s0 =	rddreg [dreg:$0x3]  }
0x66: {  	s0 =	sadd.s32 @!p0 $0x100000, s0  }
0x67: {  	[sflag:s0] =	ssyncadd.tile.s32 @!p0 $0x1;
	_ =	shalt  }
.Lfunc_end2:
_tile_overlayer_lowered:
.L_overlay_start_2:
0x68: {  	(tag) =	ssettag $0x2  }
0x69: {  	s0 =	rddreg [dreg:$0x0];
	s2 =	stileid.u32  }
0x6a: {  	s1 =	rddreg [dreg:$0x1];
	p0 =	sne.s32 s2, $0x0  }
0x6b: {  	s3 =	rddreg [dreg:$0x2];
	[bflag:$0x3] =	sbarrier.arrive $0xFFFF;
	s2 =	simm.s32 @!p0 $0x1C01  }
0x6c: {  	[timem:s3], [sflag:s2] =	dma.local @!p0 [hbm:s0], s1  }
0x6d: {  	s0 =	simm.s32 @!p0 $0x1  }
0x6e: {  	_ =	swait.ge @!p0 [sflag:s0], s1  }
0x6f: {  	s1 =	ssub.s32 @!p0 $0x0, s1;
	[sflag:s0] =	ssyncset.done @!p0 $0x0  }
0x70: {  	[sflag:s0] =	ssyncadd.s32 @!p0 s1  }
0x71: {  	[bflag:$0x3] =	sbarrier.arrive $0xFFFF  }
0x72: {  	_ =	shalt  }

</sc_bundles>
